<compile_context>
chip_gen: v7x
topology: tpu7x:2x2x1
jax: 0.10.2.dev20260603
libtpu: 0.0.44.dev20260713+nightly
codegen_flags: <defaults>
</compile_context>

<pallas_src>
import functools

import jax
import jax.numpy as jnp
from jax import lax
from jax.experimental import pallas as pl
from jax.experimental.pallas import tpu as pltpu
from jax.experimental.pallas import tpu_sc as plsc

_NC = 2
_NS = 16
_NW = _NC * _NS
_K = 128
_SC0_FRAC = 0.38
_F = 128
_ROW_BLOCK = 2000


def _segment_sum_sc(h, src_p, dst_p, zeros, n_acc, ch0, ch1):
    rpt = n_acc // _NS
    chmax = max(ch0, ch1)
    mesh = plsc.VectorSubcoreMesh(core_axis_name="c", subcore_axis_name="s")

    @functools.partial(
        pl.kernel,
        mesh=mesh,
        out_type=jax.ShapeDtypeStruct((_NC, n_acc, _F), jnp.float32),
        scratch_types=[
            pltpu.VMEM((chmax, _K), jnp.int32),
            pltpu.VMEM((chmax, _K), jnp.int32),
            pltpu.VMEM((_K, _F), jnp.float32),
            pltpu.VMEM_SHARED((n_acc, _F), jnp.float32),
            pltpu.SemaphoreType.DMA,
        ],
    )
    def seg(h_hbm, src_hbm, dst_hbm, z_hbm, out_hbm, src_v, dst_v, rows,
            acc, sem):
        c = lax.axis_index("c")
        s = lax.axis_index("s")
        pltpu.sync_copy(z_hbm, acc.at[pl.ds(s * rpt, rpt)])
        pltpu.sync_copy(src_hbm.at[c, s], src_v)
        pltpu.sync_copy(dst_hbm.at[c, s], dst_v)
        plsc.subcore_barrier()

        def body(j, carry):
            pltpu.async_copy(h_hbm.at[src_v.at[j]], rows, sem).wait()
            pltpu.sync_copy(rows, acc.at[dst_v.at[j]], add=True)
            return carry

        nch = jnp.where(c == 0, ch0, ch1)
        lax.fori_loop(0, nch, body, 0)
        plsc.subcore_barrier()
        pltpu.sync_copy(acc.at[pl.ds(s * rpt, rpt)],
                        out_hbm.at[c, pl.ds(s * rpt, rpt)])

    return seg(h, src_p, dst_p, zeros)


def _dense_first(x, W, b):
    n, f_in = x.shape
    h = W.shape[1]

    def body(x_ref, w_ref, b_ref, o_ref):
        o_ref[...] = jnp.maximum(
            jnp.dot(x_ref[...], w_ref[...], preferred_element_type=jnp.float32)
            + b_ref[...], 0.0)

    return pl.pallas_call(
        body,
        grid=(n // _ROW_BLOCK,),
        in_specs=[
            pl.BlockSpec((_ROW_BLOCK, f_in), lambda i: (i, 0)),
            pl.BlockSpec((f_in, h), lambda i: (0, 0)),
            pl.BlockSpec((1, h), lambda i: (0, 0)),
        ],
        out_specs=pl.BlockSpec((_ROW_BLOCK, h), lambda i: (i, 0)),
        out_shape=jax.ShapeDtypeStruct((n, h), jnp.float32),
    )(x, W, b.reshape(1, -1))


def _dense_mid(h, parts, W, b, fw):
    n, f = h.shape

    def body(h_ref, p_ref, w_ref, b_ref, fw_ref, o_ref):
        hh = h_ref[...]
        t = hh + p_ref[0] + p_ref[1]
        o_ref[...] = jnp.maximum(
            jnp.dot(t, w_ref[...], preferred_element_type=jnp.float32)
            + b_ref[...], 0.0) + fw_ref[0, 0] * hh

    return pl.pallas_call(
        body,
        grid=(n // _ROW_BLOCK,),
        in_specs=[
            pl.BlockSpec((_ROW_BLOCK, f), lambda i: (i, 0)),
            pl.BlockSpec((2, _ROW_BLOCK, f), lambda i: (0, i, 0)),
            pl.BlockSpec((f, f), lambda i: (0, 0)),
            pl.BlockSpec((1, f), lambda i: (0, 0)),
            pl.BlockSpec((1, 1), lambda i: (0, 0)),
        ],
        out_specs=pl.BlockSpec((_ROW_BLOCK, f), lambda i: (i, 0)),
        out_shape=jax.ShapeDtypeStruct((n, f), jnp.float32),
    )(h, parts, W, b.reshape(1, -1), fw.reshape(1, 1))


def _dense_final(h, parts, W2, b2, fw, Wo, bo):
    n, f = h.shape
    c_dim = Wo.shape[1]

    def body(h_ref, p_ref, w2_ref, b2_ref, fw_ref, wo_ref, bo_ref, o_ref):
        hh = h_ref[...]
        t = hh + p_ref[0] + p_ref[1]
        g = jnp.maximum(
            jnp.dot(t, w2_ref[...], preferred_element_type=jnp.float32)
            + b2_ref[...], 0.0) + fw_ref[0, 0] * hh
        logits = jnp.dot(g, wo_ref[...], preferred_element_type=jnp.float32) + bo_ref[...]
        m = jnp.max(logits, axis=-1, keepdims=True)
        lse = jnp.log(jnp.sum(jnp.exp(logits - m), axis=-1, keepdims=True)) + m
        o_ref[...] = logits - lse

    return pl.pallas_call(
        body,
        grid=(n // _ROW_BLOCK,),
        in_specs=[
            pl.BlockSpec((_ROW_BLOCK, f), lambda i: (i, 0)),
            pl.BlockSpec((2, _ROW_BLOCK, f), lambda i: (0, i, 0)),
            pl.BlockSpec((f, f), lambda i: (0, 0)),
            pl.BlockSpec((1, f), lambda i: (0, 0)),
            pl.BlockSpec((1, 1), lambda i: (0, 0)),
            pl.BlockSpec((f, c_dim), lambda i: (0, 0)),
            pl.BlockSpec((1, c_dim), lambda i: (0, 0)),
        ],
        out_specs=pl.BlockSpec((_ROW_BLOCK, c_dim), lambda i: (i, 0)),
        out_shape=jax.ShapeDtypeStruct((n, c_dim), jnp.float32),
    )(h, parts, W2, b2.reshape(1, -1), fw.reshape(1, 1), Wo, bo.reshape(1, -1))


def kernel(x, edge_index, edge_weight, W_first, b_first, W_c1, b_c1, W_c2,
           b_c2, W_out, b_out, fuse_weight):
    n = x.shape[0]
    e = edge_index.shape[1]
    cht = -(-e // (_NS * _K))
    ch0 = max(1, int(round(cht * _SC0_FRAC)))
    ch1 = cht - ch0
    chmax = max(ch0, ch1)
    e_pad = _NS * cht * _K
    n_acc = -(-(n + 1) // (_NS * 8)) * (_NS * 8)

    src = edge_index[0]
    dst = edge_index[1]
    pad = e_pad - e
    src_f = jnp.concatenate([src, jnp.zeros((pad,), src.dtype)])
    dst_f = jnp.concatenate([dst, jnp.full((pad,), n, dst.dtype)])

    def split(a):
        part0 = a[: _NS * ch0 * _K].reshape(_NS, ch0, _K)
        part1 = a[_NS * ch0 * _K:].reshape(_NS, ch1, _K)
        part0 = jnp.pad(part0, ((0, 0), (0, chmax - ch0), (0, 0)))
        part1 = jnp.pad(part1, ((0, 0), (0, chmax - ch1), (0, 0)))
        return jnp.stack([part0, part1])

    src_p, dst_p = split(src_f), split(dst_f)
    zeros = jnp.zeros((n_acc // _NS, _F), jnp.float32)

    h0 = _dense_first(x, W_first, b_first)
    p1 = _segment_sum_sc(h0, src_p, dst_p, zeros, n_acc, ch0, ch1)
    h1 = _dense_mid(h0, p1, W_c1, b_c1, fuse_weight[0])
    p2 = _segment_sum_sc(h1, src_p, dst_p, zeros, n_acc, ch0, ch1)
    return _dense_final(h1, p2, W_c2, b_c2, fuse_weight[1], W_out, b_out)

# --- scband reference (transcript-rebuilt; emitter-appended) ---
"""Pipeline reference for scband-gin-73658689126827 (READ-ONLY COPY).

The authoritative reference and input builder live on the scoring server;
editing this copy changes nothing except your own understanding.
"""

import jax, jax.numpy as jnp
import numpy as np

N, E, F_IN, H, C = 10000, 320000, 128, 128, 40

def setup_inputs(seed: int = 0):
    key = jax.random.key(seed)
    ks = jax.random.split(key, 8)
    x = jax.random.normal(ks[0], (N, F_IN), dtype=jnp.float32)
    edge_index = jax.random.randint(ks[1], (2, E), 0, N, dtype=jnp.int32)
    edge_weight = jax.random.uniform(ks[2], (E,), dtype=jnp.float32)
    def lin(k, fi, fo):
        s = 1.0 / np.sqrt(fi)
        kw, kb = jax.random.split(k)
        W = jax.random.uniform(kw, (fi, fo), minval=-s, maxval=s, dtype=jnp.float32)
        b = jax.random.uniform(kb, (fo,), minval=-s, maxval=s, dtype=jnp.float32)
        return W, b
    W_first, b_first = lin(ks[3], F_IN, H)
    W_c1, b_c1 = lin(ks[4], H, H)
    W_c2, b_c2 = lin(ks[5], H, H)
    W_out, b_out = lin(ks[6], H, C)
    fuse_weight = jnp.full((3,), 1.0 / 3.0, dtype=jnp.float32)
    return {"x": x, "edge_index": edge_index, "edge_weight": edge_weight,
            "W_first": W_first, "b_first": b_first,
            "W_c1": W_c1, "b_c1": b_c1,
            "W_c2": W_c2, "b_c2": b_c2,
            "W_out": W_out, "b_out": b_out,
            "fuse_weight": fuse_weight}

def reference(x, edge_index, edge_weight, W_first, b_first, W_c1, b_c1, W_c2, b_c2, W_out, b_out, fuse_weight):
    # GIN forward in eval mode (dropout disabled). GINConv with eps=0:
    # h_out = Linear((1+eps)*h + sum_{j in N(i)} h_j)
    src, dst = edge_index[0], edge_index[1]
    def agg(h):
        return jax.ops.segment_sum(h[src], dst, num_segments=h.shape[0])
    h = jax.nn.relu(x @ W_first + b_first)
    h_first = h
    h = jax.nn.relu((h + agg(h)) @ W_c1 + b_c1)
    h = h + fuse_weight[0] * h_first
    h_first = h
    h = jax.nn.relu((h + agg(h)) @ W_c2 + b_c2)
    h = h + fuse_weight[1] * h_first
    logits = h @ W_out + b_out
    return jax.nn.log_softmax(logits, axis=-1)

if __name__ == "__main__":
    import jax
    _d = setup_inputs()
    print(jax.jit(kernel)(*tuple(_d.values())))

</pallas_src>

<mosaic_0001>
#map = affine_map<(d0, d1) -> (0, 0)>
#map1 = affine_map<(d0, d1) -> (0, 0, 0, 0)>
#map2 = affine_map<(d0, d1) -> (0, 0, 0)>
module attributes {stable_mosaic.version = 14 : i64} {
  func.func @seg(%arg0: i32, %arg1: i32, %arg2: memref<10000x128xf32, #tpu.memory_space<hbm>>, %arg3: memref<2x16x97x128xi32, #tpu.memory_space<hbm>>, %arg4: memref<2x16x97x128xi32, #tpu.memory_space<hbm>>, %arg5: memref<632x128xf32, #tpu.memory_space<hbm>>, %arg6: memref<2x10112x128xf32, #tpu.memory_space<hbm>>, %arg7: memref<97x128xi32, #tpu.memory_space<vmem>>, %arg8: memref<97x128xi32, #tpu.memory_space<vmem>>, %arg9: memref<128x128xf32, #tpu.memory_space<vmem>>, %arg10: memref<10112x128xf32, #tpu.memory_space<vmem_shared>>, %arg11: memref<!tpu.dma_semaphore, #tpu.memory_space<semaphore_mem>>) attributes {dimension_semantics = [#tpu.dimension_semantics<core_parallel>, #tpu.dimension_semantics<subcore_parallel>], iteration_bounds = array<i64: 2, 16>, scalar_prefetch = 0 : i64, scratch_operands = 5 : i64, tpu.core_type = #tpu.core_type<sc_vector_subcore>, window_params = [{transform_indices = #map}, {transform_indices = #map1}, {transform_indices = #map1}, {transform_indices = #map}, {transform_indices = #map2}]} {
    %mul3A = arith.constant 632 : i32
    %mul3A_0 = arith.muli %arg1, %mul3A : i32
    "tpu.region"() ({
      %run_scoped3A = tpu.sem_alloc : memref<!tpu.dma_semaphore, #tpu.memory_space<semaphore_mem>>
      %dma_start3A = arith.constant 0 : i32
      %dma_start3A_17 = tpu.memref_slice %arg10[%mul3A_0, %dma_start3A] : memref<10112x128xf32, #tpu.memory_space<vmem_shared>> -> memref<632x128xf32, #tpu.memory_space<vmem_shared>>
      tpu.enqueue_dma source(%arg5 : memref<632x128xf32, #tpu.memory_space<hbm>>) target(%dma_start3A_17 : memref<632x128xf32, #tpu.memory_space<vmem_shared>>) target_semaphore(%run_scoped3A : memref<!tpu.dma_semaphore, #tpu.memory_space<semaphore_mem>>)
      %dma_wait3A = arith.constant 0 : i32
      %dma_wait3A_18 = tpu.memref_slice %arg10[%mul3A_0, %dma_wait3A] : memref<10112x128xf32, #tpu.memory_space<vmem_shared>> -> memref<632x128xf32, #tpu.memory_space<vmem_shared>>
      tpu.wait_dma2 semaphore(%run_scoped3A : memref<!tpu.dma_semaphore, #tpu.memory_space<semaphore_mem>>) src(%arg5 : memref<632x128xf32, #tpu.memory_space<hbm>>) dst(%dma_wait3A_18 : memref<632x128xf32, #tpu.memory_space<vmem_shared>>)
      tpu.yield
    }) : () -> ()
    "tpu.region"() ({
      %run_scoped3A = tpu.sem_alloc : memref<!tpu.dma_semaphore, #tpu.memory_space<semaphore_mem>>
      %dma_start3A = arith.constant 0 : i32
      %dma_start3A_17 = arith.constant 0 : i32
      %dma_start3A_18 = tpu.memref_slice %arg3[%arg0, %arg1, %dma_start3A, %dma_start3A_17] : memref<2x16x97x128xi32, #tpu.memory_space<hbm>> -> memref<1x1x97x128xi32, #tpu.memory_space<hbm>>
      %dma_start3A_19 = tpu.memref_squeeze %dma_start3A_18 : memref<1x1x97x128xi32, #tpu.memory_space<hbm>> -> memref<97x128xi32, #tpu.memory_space<hbm>>
      %dma_start3A_20 = arith.constant 0 : i32
      %dma_start3A_21 = arith.constant 0 : i32
      %dma_start3A_22 = tpu.memref_slice %arg3[%arg0, %arg1, %dma_start3A_20, %dma_start3A_21] : memref<2x16x97x128xi32, #tpu.memory_space<hbm>> -> memref<1x1x97x128xi32, #tpu.memory_space<hbm>>
      %dma_start3A_23 = tpu.memref_squeeze %dma_start3A_22 : memref<1x1x97x128xi32, #tpu.memory_space<hbm>> -> memref<97x128xi32, #tpu.memory_space<hbm>>
      tpu.enqueue_dma source(%dma_start3A_23 : memref<97x128xi32, #tpu.memory_space<hbm>>) target(%arg7 : memref<97x128xi32, #tpu.memory_space<vmem>>) target_semaphore(%run_scoped3A : memref<!tpu.dma_semaphore, #tpu.memory_space<semaphore_mem>>)
      %dma_wait3A = arith.constant 0 : i32
      %dma_wait3A_24 = arith.constant 0 : i32
      %dma_wait3A_25 = tpu.memref_slice %arg3[%arg0, %arg1, %dma_wait3A, %dma_wait3A_24] : memref<2x16x97x128xi32, #tpu.memory_space<hbm>> -> memref<1x1x97x128xi32, #tpu.memory_space<hbm>>
      %dma_wait3A_26 = tpu.memref_squeeze %dma_wait3A_25 : memref<1x1x97x128xi32, #tpu.memory_space<hbm>> -> memref<97x128xi32, #tpu.memory_space<hbm>>
      %dma_wait3A_27 = arith.constant 0 : i32
      %dma_wait3A_28 = arith.constant 0 : i32
      %dma_wait3A_29 = tpu.memref_slice %arg3[%arg0, %arg1, %dma_wait3A_27, %dma_wait3A_28] : memref<2x16x97x128xi32, #tpu.memory_space<hbm>> -> memref<1x1x97x128xi32, #tpu.memory_space<hbm>>
      %dma_wait3A_30 = tpu.memref_squeeze %dma_wait3A_29 : memref<1x1x97x128xi32, #tpu.memory_space<hbm>> -> memref<97x128xi32, #tpu.memory_space<hbm>>
      tpu.wait_dma2 semaphore(%run_scoped3A : memref<!tpu.dma_semaphore, #tpu.memory_space<semaphore_mem>>) src(%dma_wait3A_30 : memref<97x128xi32, #tpu.memory_space<hbm>>) dst(%arg7 : memref<97x128xi32, #tpu.memory_space<vmem>>)
      tpu.yield
    }) : () -> ()
    "tpu.region"() ({
      %run_scoped3A = tpu.sem_alloc : memref<!tpu.dma_semaphore, #tpu.memory_space<semaphore_mem>>
      %dma_start3A = arith.constant 0 : i32
      %dma_start3A_17 = arith.constant 0 : i32
      %dma_start3A_18 = tpu.memref_slice %arg4[%arg0, %arg1, %dma_start3A, %dma_start3A_17] : memref<2x16x97x128xi32, #tpu.memory_space<hbm>> -> memref<1x1x97x128xi32, #tpu.memory_space<hbm>>
      %dma_start3A_19 = tpu.memref_squeeze %dma_start3A_18 : memref<1x1x97x128xi32, #tpu.memory_space<hbm>> -> memref<97x128xi32, #tpu.memory_space<hbm>>
      %dma_start3A_20 = arith.constant 0 : i32
      %dma_start3A_21 = arith.constant 0 : i32
      %dma_start3A_22 = tpu.memref_slice %arg4[%arg0, %arg1, %dma_start3A_20, %dma_start3A_21] : memref<2x16x97x128xi32, #tpu.memory_space<hbm>> -> memref<1x1x97x128xi32, #tpu.memory_space<hbm>>
      %dma_start3A_23 = tpu.memref_squeeze %dma_start3A_22 : memref<1x1x97x128xi32, #tpu.memory_space<hbm>> -> memref<97x128xi32, #tpu.memory_space<hbm>>
      tpu.enqueue_dma source(%dma_start3A_23 : memref<97x128xi32, #tpu.memory_space<hbm>>) target(%arg8 : memref<97x128xi32, #tpu.memory_space<vmem>>) target_semaphore(%run_scoped3A : memref<!tpu.dma_semaphore, #tpu.memory_space<semaphore_mem>>)
      %dma_wait3A = arith.constant 0 : i32
      %dma_wait3A_24 = arith.constant 0 : i32
      %dma_wait3A_25 = tpu.memref_slice %arg4[%arg0, %arg1, %dma_wait3A, %dma_wait3A_24] : memref<2x16x97x128xi32, #tpu.memory_space<hbm>> -> memref<1x1x97x128xi32, #tpu.memory_space<hbm>>
      %dma_wait3A_26 = tpu.memref_squeeze %dma_wait3A_25 : memref<1x1x97x128xi32, #tpu.memory_space<hbm>> -> memref<97x128xi32, #tpu.memory_space<hbm>>
      %dma_wait3A_27 = arith.constant 0 : i32
      %dma_wait3A_28 = arith.constant 0 : i32
      %dma_wait3A_29 = tpu.memref_slice %arg4[%arg0, %arg1, %dma_wait3A_27, %dma_wait3A_28] : memref<2x16x97x128xi32, #tpu.memory_space<hbm>> -> memref<1x1x97x128xi32, #tpu.memory_space<hbm>>
      %dma_wait3A_30 = tpu.memref_squeeze %dma_wait3A_29 : memref<1x1x97x128xi32, #tpu.memory_space<hbm>> -> memref<97x128xi32, #tpu.memory_space<hbm>>
      tpu.wait_dma2 semaphore(%run_scoped3A : memref<!tpu.dma_semaphore, #tpu.memory_space<semaphore_mem>>) src(%dma_wait3A_30 : memref<97x128xi32, #tpu.memory_space<hbm>>) dst(%arg8 : memref<97x128xi32, #tpu.memory_space<vmem>>)
      tpu.yield
    }) : () -> ()
    %barrier3A = arith.constant 0 : index
    tpu.barrier barrier_id(%barrier3A)
    %eq3A = arith.constant 0 : i32
    %eq3A_1 = arith.cmpi eq, %arg0, %eq3A : i32
    %jit3A = arith.constant 60 : i32
    %jit3A_2 = arith.constant 97 : i32
    %select_n3A = arith.select %eq3A_1, %jit3A, %jit3A_2 : i32
    %while3A = arith.constant 0 : i32
    %while3A_3 = arith.constant 0 : i32
    %while3A_4 = arith.subi %select_n3A, %while3A_3 : i32
    %while3A_5 = arith.addi %while3A_3, %while3A_4 : i32
    %while3A_6 = arith.constant 1 : i32
    %while3A_7 = arith.divsi %while3A_4, %while3A_6 : i32
    %while3A_8 = arith.muli %while3A_7, %while3A_6 : i32
    %while3A_9 = arith.addi %while3A_3, %while3A_8 : i32
    %while3A_10 = arith.constant 1 : i32
    scf.for %while3A_17 = %while3A_3 to %while3A_9 step %while3A_10  : i32 {
      %dma_start3A = arith.constant 0 : i32
      %dma_start3A_18 = tpu.memref_slice %arg7[%while3A_17, %dma_start3A] : memref<97x128xi32, #tpu.memory_space<vmem>> -> memref<1x128xi32, #tpu.memory_space<vmem>>
      %dma_start3A_19 = tpu.memref_squeeze %dma_start3A_18 : memref<1x128xi32, #tpu.memory_space<vmem>> -> memref<128xi32, #tpu.memory_space<vmem>>
      %dma_start3A_20 = arith.constant 0 : i32
      %dma_start3A_21 = arith.constant 0 : i32
      %dma_start3A_22 = tpu.memref_slice %arg2[%dma_start3A_20, %dma_start3A_21] : memref<10000x128xf32, #tpu.memory_space<hbm>> -> memref<10000x128xf32, #tpu.memory_space<hbm>>
      tpu.enqueue_indirect_dma source(%dma_start3A_22 : memref<10000x128xf32, #tpu.memory_space<hbm>>) target(%arg9 : memref<128x128xf32, #tpu.memory_space<vmem>>) offsets(%dma_start3A_19 : memref<128xi32, #tpu.memory_space<vmem>>) semaphore(%arg11 : memref<!tpu.dma_semaphore, #tpu.memory_space<semaphore_mem>>)
      %dma_wait3A = arith.constant 0 : i32
      %dma_wait3A_23 = tpu.memref_slice %arg7[%while3A_17, %dma_wait3A] : memref<97x128xi32, #tpu.memory_space<vmem>> -> memref<1x128xi32, #tpu.memory_space<vmem>>
      %dma_wait3A_24 = tpu.memref_squeeze %dma_wait3A_23 : memref<1x128xi32, #tpu.memory_space<vmem>> -> memref<128xi32, #tpu.memory_space<vmem>>
      %dma_wait3A_25 = arith.constant 0 : i32
      %dma_wait3A_26 = arith.constant 0 : i32
      %dma_wait3A_27 = tpu.memref_slice %arg2[%dma_wait3A_25, %dma_wait3A_26] : memref<10000x128xf32, #tpu.memory_space<hbm>> -> memref<10000x128xf32, #tpu.memory_space<hbm>>
      tpu.wait_indirect_dma semaphore(%arg11 : memref<!tpu.dma_semaphore, #tpu.memory_space<semaphore_mem>>) src(%dma_wait3A_27 : memref<10000x128xf32, #tpu.memory_space<hbm>>) dst(%arg9 : memref<128x128xf32, #tpu.memory_space<vmem>>)
      "tpu.region"() ({
        %run_scoped3A = tpu.sem_alloc : memref<!tpu.dma_semaphore, #tpu.memory_space<semaphore_mem>>
        %dma_start3A_28 = arith.constant 0 : i32
        %dma_start3A_29 = tpu.memref_slice %arg8[%while3A_17, %dma_start3A_28] : memref<97x128xi32, #tpu.memory_space<vmem>> -> memref<1x128xi32, #tpu.memory_space<vmem>>
        %dma_start3A_30 = tpu.memref_squeeze %dma_start3A_29 : memref<1x128xi32, #tpu.memory_space<vmem>> -> memref<128xi32, #tpu.memory_space<vmem>>
        %dma_start3A_31 = arith.constant 0 : i32
        %dma_start3A_32 = arith.constant 0 : i32
        %dma_start3A_33 = tpu.memref_slice %arg10[%dma_start3A_31, %dma_start3A_32] : memref<10112x128xf32, #tpu.memory_space<vmem_shared>> -> memref<10112x128xf32, #tpu.memory_space<vmem_shared>>
        tpu.enqueue_indirect_dma source(%arg9 : memref<128x128xf32, #tpu.memory_space<vmem>>) target(%dma_start3A_33 : memref<10112x128xf32, #tpu.memory_space<vmem_shared>>) offsets(%dma_start3A_30 : memref<128xi32, #tpu.memory_space<vmem>>) semaphore(%run_scoped3A : memref<!tpu.dma_semaphore, #tpu.memory_space<semaphore_mem>>) {add = true}
        %dma_wait3A_34 = arith.constant 0 : i32
        %dma_wait3A_35 = tpu.memref_slice %arg8[%while3A_17, %dma_wait3A_34] : memref<97x128xi32, #tpu.memory_space<vmem>> -> memref<1x128xi32, #tpu.memory_space<vmem>>
        %dma_wait3A_36 = tpu.memref_squeeze %dma_wait3A_35 : memref<1x128xi32, #tpu.memory_space<vmem>> -> memref<128xi32, #tpu.memory_space<vmem>>
        %dma_wait3A_37 = arith.constant 0 : i32
        %dma_wait3A_38 = arith.constant 0 : i32
        %dma_wait3A_39 = tpu.memref_slice %arg10[%dma_wait3A_37, %dma_wait3A_38] : memref<10112x128xf32, #tpu.memory_space<vmem_shared>> -> memref<10112x128xf32, #tpu.memory_space<vmem_shared>>
        tpu.wait_indirect_dma semaphore(%run_scoped3A : memref<!tpu.dma_semaphore, #tpu.memory_space<semaphore_mem>>) src(%arg9 : memref<128x128xf32, #tpu.memory_space<vmem>>) dst(%dma_wait3A_39 : memref<10112x128xf32, #tpu.memory_space<vmem_shared>>)
        tpu.yield
      }) : () -> ()
    }
    %while3A_11 = arith.constant 1 : i32
    scf.for %while3A_17 = %while3A_9 to %while3A_5 step %while3A_11  : i32 {
      %dma_start3A = arith.constant 0 : i32
      %dma_start3A_18 = tpu.memref_slice %arg7[%while3A_17, %dma_start3A] : memref<97x128xi32, #tpu.memory_space<vmem>> -> memref<1x128xi32, #tpu.memory_space<vmem>>
      %dma_start3A_19 = tpu.memref_squeeze %dma_start3A_18 : memref<1x128xi32, #tpu.memory_space<vmem>> -> memref<128xi32, #tpu.memory_space<vmem>>
      %dma_start3A_20 = arith.constant 0 : i32
      %dma_start3A_21 = arith.constant 0 : i32
      %dma_start3A_22 = tpu.memref_slice %arg2[%dma_start3A_20, %dma_start3A_21] : memref<10000x128xf32, #tpu.memory_space<hbm>> -> memref<10000x128xf32, #tpu.memory_space<hbm>>
      tpu.enqueue_indirect_dma source(%dma_start3A_22 : memref<10000x128xf32, #tpu.memory_space<hbm>>) target(%arg9 : memref<128x128xf32, #tpu.memory_space<vmem>>) offsets(%dma_start3A_19 : memref<128xi32, #tpu.memory_space<vmem>>) semaphore(%arg11 : memref<!tpu.dma_semaphore, #tpu.memory_space<semaphore_mem>>)
      %dma_wait3A = arith.constant 0 : i32
      %dma_wait3A_23 = tpu.memref_slice %arg7[%while3A_17, %dma_wait3A] : memref<97x128xi32, #tpu.memory_space<vmem>> -> memref<1x128xi32, #tpu.memory_space<vmem>>
      %dma_wait3A_24 = tpu.memref_squeeze %dma_wait3A_23 : memref<1x128xi32, #tpu.memory_space<vmem>> -> memref<128xi32, #tpu.memory_space<vmem>>
      %dma_wait3A_25 = arith.constant 0 : i32
      %dma_wait3A_26 = arith.constant 0 : i32
      %dma_wait3A_27 = tpu.memref_slice %arg2[%dma_wait3A_25, %dma_wait3A_26] : memref<10000x128xf32, #tpu.memory_space<hbm>> -> memref<10000x128xf32, #tpu.memory_space<hbm>>
      tpu.wait_indirect_dma semaphore(%arg11 : memref<!tpu.dma_semaphore, #tpu.memory_space<semaphore_mem>>) src(%dma_wait3A_27 : memref<10000x128xf32, #tpu.memory_space<hbm>>) dst(%arg9 : memref<128x128xf32, #tpu.memory_space<vmem>>)
      "tpu.region"() ({
        %run_scoped3A = tpu.sem_alloc : memref<!tpu.dma_semaphore, #tpu.memory_space<semaphore_mem>>
        %dma_start3A_28 = arith.constant 0 : i32
        %dma_start3A_29 = tpu.memref_slice %arg8[%while3A_17, %dma_start3A_28] : memref<97x128xi32, #tpu.memory_space<vmem>> -> memref<1x128xi32, #tpu.memory_space<vmem>>
        %dma_start3A_30 = tpu.memref_squeeze %dma_start3A_29 : memref<1x128xi32, #tpu.memory_space<vmem>> -> memref<128xi32, #tpu.memory_space<vmem>>
        %dma_start3A_31 = arith.constant 0 : i32
        %dma_start3A_32 = arith.constant 0 : i32
        %dma_start3A_33 = tpu.memref_slice %arg10[%dma_start3A_31, %dma_start3A_32] : memref<10112x128xf32, #tpu.memory_space<vmem_shared>> -> memref<10112x128xf32, #tpu.memory_space<vmem_shared>>
        tpu.enqueue_indirect_dma source(%arg9 : memref<128x128xf32, #tpu.memory_space<vmem>>) target(%dma_start3A_33 : memref<10112x128xf32, #tpu.memory_space<vmem_shared>>) offsets(%dma_start3A_30 : memref<128xi32, #tpu.memory_space<vmem>>) semaphore(%run_scoped3A : memref<!tpu.dma_semaphore, #tpu.memory_space<semaphore_mem>>) {add = true}
        %dma_wait3A_34 = arith.constant 0 : i32
        %dma_wait3A_35 = tpu.memref_slice %arg8[%while3A_17, %dma_wait3A_34] : memref<97x128xi32, #tpu.memory_space<vmem>> -> memref<1x128xi32, #tpu.memory_space<vmem>>
        %dma_wait3A_36 = tpu.memref_squeeze %dma_wait3A_35 : memref<1x128xi32, #tpu.memory_space<vmem>> -> memref<128xi32, #tpu.memory_space<vmem>>
        %dma_wait3A_37 = arith.constant 0 : i32
        %dma_wait3A_38 = arith.constant 0 : i32
        %dma_wait3A_39 = tpu.memref_slice %arg10[%dma_wait3A_37, %dma_wait3A_38] : memref<10112x128xf32, #tpu.memory_space<vmem_shared>> -> memref<10112x128xf32, #tpu.memory_space<vmem_shared>>
        tpu.wait_indirect_dma semaphore(%run_scoped3A : memref<!tpu.dma_semaphore, #tpu.memory_space<semaphore_mem>>) src(%arg9 : memref<128x128xf32, #tpu.memory_space<vmem>>) dst(%dma_wait3A_39 : memref<10112x128xf32, #tpu.memory_space<vmem_shared>>)
        tpu.yield
      }) : () -> ()
    }
    %barrier3A_12 = arith.constant 0 : index
    tpu.barrier barrier_id(%barrier3A_12)
    %mul3A_13 = arith.constant 632 : i32
    %mul3A_14 = arith.muli %arg1, %mul3A_13 : i32
    %mul3A_15 = arith.constant 632 : i32
    %mul3A_16 = arith.muli %arg1, %mul3A_15 : i32
    "tpu.region"() ({
      %run_scoped3A = tpu.sem_alloc : memref<!tpu.dma_semaphore, #tpu.memory_space<semaphore_mem>>
      %dma_start3A = arith.constant 0 : i32
      %dma_start3A_17 = tpu.memref_slice %arg6[%arg0, %mul3A_16, %dma_start3A] : memref<2x10112x128xf32, #tpu.memory_space<hbm>> -> memref<1x632x128xf32, #tpu.memory_space<hbm>>
      %dma_start3A_18 = tpu.memref_squeeze %dma_start3A_17 : memref<1x632x128xf32, #tpu.memory_space<hbm>> -> memref<632x128xf32, #tpu.memory_space<hbm>>
      %dma_start3A_19 = arith.constant 0 : i32
      %dma_start3A_20 = tpu.memref_slice %arg10[%mul3A_14, %dma_start3A_19] : memref<10112x128xf32, #tpu.memory_space<vmem_shared>> -> memref<632x128xf32, #tpu.memory_space<vmem_shared>>
      tpu.enqueue_dma source(%dma_start3A_20 : memref<632x128xf32, #tpu.memory_space<vmem_shared>>) target(%dma_start3A_18 : memref<632x128xf32, #tpu.memory_space<hbm>>) target_semaphore(%run_scoped3A : memref<!tpu.dma_semaphore, #tpu.memory_space<semaphore_mem>>)
      %dma_wait3A = arith.constant 0 : i32
      %dma_wait3A_21 = tpu.memref_slice %arg6[%arg0, %mul3A_16, %dma_wait3A] : memref<2x10112x128xf32, #tpu.memory_space<hbm>> -> memref<1x632x128xf32, #tpu.memory_space<hbm>>
      %dma_wait3A_22 = tpu.memref_squeeze %dma_wait3A_21 : memref<1x632x128xf32, #tpu.memory_space<hbm>> -> memref<632x128xf32, #tpu.memory_space<hbm>>
      %dma_wait3A_23 = arith.constant 0 : i32
      %dma_wait3A_24 = tpu.memref_slice %arg10[%mul3A_14, %dma_wait3A_23] : memref<10112x128xf32, #tpu.memory_space<vmem_shared>> -> memref<632x128xf32, #tpu.memory_space<vmem_shared>>
      tpu.wait_dma2 semaphore(%run_scoped3A : memref<!tpu.dma_semaphore, #tpu.memory_space<semaphore_mem>>) src(%dma_wait3A_24 : memref<632x128xf32, #tpu.memory_space<vmem_shared>>) dst(%dma_wait3A_22 : memref<632x128xf32, #tpu.memory_space<hbm>>)
      tpu.yield
    }) : () -> ()
    return
  }
}

#map = affine_map<(d0, d1) -> (0, 0)>
#map1 = affine_map<(d0, d1) -> (0, 0, 0, 0)>
#map2 = affine_map<(d0, d1) -> (0, 0, 0)>
module attributes {stable_mosaic.version = 14 : i64} {
  func.func @seg(%arg0: i32, %arg1: i32, %arg2: memref<10000x128xf32, #tpu.memory_space<hbm>>, %arg3: memref<2x16x97x128xi32, #tpu.memory_space<hbm>>, %arg4: memref<2x16x97x128xi32, #tpu.memory_space<hbm>>, %arg5: memref<632x128xf32, #tpu.memory_space<hbm>>, %arg6: memref<2x10112x128xf32, #tpu.memory_space<hbm>>, %arg7: memref<97x128xi32, #tpu.memory_space<vmem>>, %arg8: memref<97x128xi32, #tpu.memory_space<vmem>>, %arg9: memref<128x128xf32, #tpu.memory_space<vmem>>, %arg10: memref<10112x128xf32, #tpu.memory_space<vmem_shared>>, %arg11: memref<!tpu.dma_semaphore, #tpu.memory_space<semaphore_mem>>) attributes {dimension_semantics = [#tpu.dimension_semantics<core_parallel>, #tpu.dimension_semantics<subcore_parallel>], iteration_bounds = array<i64: 2, 16>, scalar_prefetch = 0 : i64, scratch_operands = 5 : i64, tpu.core_type = #tpu.core_type<sc_vector_subcore>, window_params = [{transform_indices = #map}, {transform_indices = #map1}, {transform_indices = #map1}, {transform_indices = #map}, {transform_indices = #map2}]} {
    %mul3A = arith.constant 632 : i32
    %mul3A_0 = arith.muli %arg1, %mul3A : i32
    "tpu.region"() ({
      %run_scoped3A = tpu.sem_alloc : memref<!tpu.dma_semaphore, #tpu.memory_space<semaphore_mem>>
      %dma_start3A = arith.constant 0 : i32
      %dma_start3A_17 = tpu.memref_slice %arg10[%mul3A_0, %dma_start3A] : memref<10112x128xf32, #tpu.memory_space<vmem_shared>> -> memref<632x128xf32, #tpu.memory_space<vmem_shared>>
      tpu.enqueue_dma source(%arg5 : memref<632x128xf32, #tpu.memory_space<hbm>>) target(%dma_start3A_17 : memref<632x128xf32, #tpu.memory_space<vmem_shared>>) target_semaphore(%run_scoped3A : memref<!tpu.dma_semaphore, #tpu.memory_space<semaphore_mem>>)
      %dma_wait3A = arith.constant 0 : i32
      %dma_wait3A_18 = tpu.memref_slice %arg10[%mul3A_0, %dma_wait3A] : memref<10112x128xf32, #tpu.memory_space<vmem_shared>> -> memref<632x128xf32, #tpu.memory_space<vmem_shared>>
      tpu.wait_dma2 semaphore(%run_scoped3A : memref<!tpu.dma_semaphore, #tpu.memory_space<semaphore_mem>>) src(%arg5 : memref<632x128xf32, #tpu.memory_space<hbm>>) dst(%dma_wait3A_18 : memref<632x128xf32, #tpu.memory_space<vmem_shared>>)
      tpu.yield
    }) : () -> ()
    "tpu.region"() ({
      %run_scoped3A = tpu.sem_alloc : memref<!tpu.dma_semaphore, #tpu.memory_space<semaphore_mem>>
      %dma_start3A = arith.constant 0 : i32
      %dma_start3A_17 = arith.constant 0 : i32
      %dma_start3A_18 = tpu.memref_slice %arg3[%arg0, %arg1, %dma_start3A, %dma_start3A_17] : memref<2x16x97x128xi32, #tpu.memory_space<hbm>> -> memref<1x1x97x128xi32, #tpu.memory_space<hbm>>
      %dma_start3A_19 = tpu.memref_squeeze %dma_start3A_18 : memref<1x1x97x128xi32, #tpu.memory_space<hbm>> -> memref<97x128xi32, #tpu.memory_space<hbm>>
      %dma_start3A_20 = arith.constant 0 : i32
      %dma_start3A_21 = arith.constant 0 : i32
      %dma_start3A_22 = tpu.memref_slice %arg3[%arg0, %arg1, %dma_start3A_20, %dma_start3A_21] : memref<2x16x97x128xi32, #tpu.memory_space<hbm>> -> memref<1x1x97x128xi32, #tpu.memory_space<hbm>>
      %dma_start3A_23 = tpu.memref_squeeze %dma_start3A_22 : memref<1x1x97x128xi32, #tpu.memory_space<hbm>> -> memref<97x128xi32, #tpu.memory_space<hbm>>
      tpu.enqueue_dma source(%dma_start3A_23 : memref<97x128xi32, #tpu.memory_space<hbm>>) target(%arg7 : memref<97x128xi32, #tpu.memory_space<vmem>>) target_semaphore(%run_scoped3A : memref<!tpu.dma_semaphore, #tpu.memory_space<semaphore_mem>>)
      %dma_wait3A = arith.constant 0 : i32
      %dma_wait3A_24 = arith.constant 0 : i32
      %dma_wait3A_25 = tpu.memref_slice %arg3[%arg0, %arg1, %dma_wait3A, %dma_wait3A_24] : memref<2x16x97x128xi32, #tpu.memory_space<hbm>> -> memref<1x1x97x128xi32, #tpu.memory_space<hbm>>
      %dma_wait3A_26 = tpu.memref_squeeze %dma_wait3A_25 : memref<1x1x97x128xi32, #tpu.memory_space<hbm>> -> memref<97x128xi32, #tpu.memory_space<hbm>>
      %dma_wait3A_27 = arith.constant 0 : i32
      %dma_wait3A_28 = arith.constant 0 : i32
      %dma_wait3A_29 = tpu.memref_slice %arg3[%arg0, %arg1, %dma_wait3A_27, %dma_wait3A_28] : memref<2x16x97x128xi32, #tpu.memory_space<hbm>> -> memref<1x1x97x128xi32, #tpu.memory_space<hbm>>
      %dma_wait3A_30 = tpu.memref_squeeze %dma_wait3A_29 : memref<1x1x97x128xi32, #tpu.memory_space<hbm>> -> memref<97x128xi32, #tpu.memory_space<hbm>>
      tpu.wait_dma2 semaphore(%run_scoped3A : memref<!tpu.dma_semaphore, #tpu.memory_space<semaphore_mem>>) src(%dma_wait3A_30 : memref<97x128xi32, #tpu.memory_space<hbm>>) dst(%arg7 : memref<97x128xi32, #tpu.memory_space<vmem>>)
      tpu.yield
    }) : () -> ()
    "tpu.region"() ({
      %run_scoped3A = tpu.sem_alloc : memref<!tpu.dma_semaphore, #tpu.memory_space<semaphore_mem>>
      %dma_start3A = arith.constant 0 : i32
      %dma_start3A_17 = arith.constant 0 : i32
      %dma_start3A_18 = tpu.memref_slice %arg4[%arg0, %arg1, %dma_start3A, %dma_start3A_17] : memref<2x16x97x128xi32, #tpu.memory_space<hbm>> -> memref<1x1x97x128xi32, #tpu.memory_space<hbm>>
      %dma_start3A_19 = tpu.memref_squeeze %dma_start3A_18 : memref<1x1x97x128xi32, #tpu.memory_space<hbm>> -> memref<97x128xi32, #tpu.memory_space<hbm>>
      %dma_start3A_20 = arith.constant 0 : i32
      %dma_start3A_21 = arith.constant 0 : i32
      %dma_start3A_22 = tpu.memref_slice %arg4[%arg0, %arg1, %dma_start3A_20, %dma_start3A_21] : memref<2x16x97x128xi32, #tpu.memory_space<hbm>> -> memref<1x1x97x128xi32, #tpu.memory_space<hbm>>
      %dma_start3A_23 = tpu.memref_squeeze %dma_start3A_22 : memref<1x1x97x128xi32, #tpu.memory_space<hbm>> -> memref<97x128xi32, #tpu.memory_space<hbm>>
      tpu.enqueue_dma source(%dma_start3A_23 : memref<97x128xi32, #tpu.memory_space<hbm>>) target(%arg8 : memref<97x128xi32, #tpu.memory_space<vmem>>) target_semaphore(%run_scoped3A : memref<!tpu.dma_semaphore, #tpu.memory_space<semaphore_mem>>)
      %dma_wait3A = arith.constant 0 : i32
      %dma_wait3A_24 = arith.constant 0 : i32
      %dma_wait3A_25 = tpu.memref_slice %arg4[%arg0, %arg1, %dma_wait3A, %dma_wait3A_24] : memref<2x16x97x128xi32, #tpu.memory_space<hbm>> -> memref<1x1x97x128xi32, #tpu.memory_space<hbm>>
      %dma_wait3A_26 = tpu.memref_squeeze %dma_wait3A_25 : memref<1x1x97x128xi32, #tpu.memory_space<hbm>> -> memref<97x128xi32, #tpu.memory_space<hbm>>
      %dma_wait3A_27 = arith.constant 0 : i32
      %dma_wait3A_28 = arith.constant 0 : i32
      %dma_wait3A_29 = tpu.memref_slice %arg4[%arg0, %arg1, %dma_wait3A_27, %dma_wait3A_28] : memref<2x16x97x128xi32, #tpu.memory_space<hbm>> -> memref<1x1x97x128xi32, #tpu.memory_space<hbm>>
      %dma_wait3A_30 = tpu.memref_squeeze %dma_wait3A_29 : memref<1x1x97x128xi32, #tpu.memory_space<hbm>> -> memref<97x128xi32, #tpu.memory_space<hbm>>
      tpu.wait_dma2 semaphore(%run_scoped3A : memref<!tpu.dma_semaphore, #tpu.memory_space<semaphore_mem>>) src(%dma_wait3A_30 : memref<97x128xi32, #tpu.memory_space<hbm>>) dst(%arg8 : memref<97x128xi32, #tpu.memory_space<vmem>>)
      tpu.yield
    }) : () -> ()
    %barrier3A = arith.constant 0 : index
    tpu.barrier barrier_id(%barrier3A)
    %eq3A = arith.constant 0 : i32
    %eq3A_1 = arith.cmpi eq, %arg0, %eq3A : i32
    %jit3A = arith.constant 60 : i32
    %jit3A_2 = arith.constant 97 : i32
    %select_n3A = arith.select %eq3A_1, %jit3A, %jit3A_2 : i32
    %while3A = arith.constant 0 : i32
    %while3A_3 = arith.constant 0 : i32
    %while3A_4 = arith.subi %select_n3A, %while3A_3 : i32
    %while3A_5 = arith.addi %while3A_3, %while3A_4 : i32
    %while3A_6 = arith.constant 1 : i32
    %while3A_7 = arith.divsi %while3A_4, %while3A_6 : i32
    %while3A_8 = arith.muli %while3A_7, %while3A_6 : i32
    %while3A_9 = arith.addi %while3A_3, %while3A_8 : i32
    %while3A_10 = arith.constant 1 : i32
    scf.for %while3A_17 = %while3A_3 to %while3A_9 step %while3A_10  : i32 {
      %dma_start3A = arith.constant 0 : i32
      %dma_start3A_18 = tpu.memref_slice %arg7[%while3A_17, %dma_start3A] : memref<97x128xi32, #tpu.memory_space<vmem>> -> memref<1x128xi32, #tpu.memory_space<vmem>>
      %dma_start3A_19 = tpu.memref_squeeze %dma_start3A_18 : memref<1x128xi32, #tpu.memory_space<vmem>> -> memref<128xi32, #tpu.memory_space<vmem>>
      %dma_start3A_20 = arith.constant 0 : i32
      %dma_start3A_21 = arith.constant 0 : i32
      %dma_start3A_22 = tpu.memref_slice %arg2[%dma_start3A_20, %dma_start3A_21] : memref<10000x128xf32, #tpu.memory_space<hbm>> -> memref<10000x128xf32, #tpu.memory_space<hbm>>
      tpu.enqueue_indirect_dma source(%dma_start3A_22 : memref<10000x128xf32, #tpu.memory_space<hbm>>) target(%arg9 : memref<128x128xf32, #tpu.memory_space<vmem>>) offsets(%dma_start3A_19 : memref<128xi32, #tpu.memory_space<vmem>>) semaphore(%arg11 : memref<!tpu.dma_semaphore, #tpu.memory_space<semaphore_mem>>)
      %dma_wait3A = arith.constant 0 : i32
      %dma_wait3A_23 = tpu.memref_slice %arg7[%while3A_17, %dma_wait3A] : memref<97x128xi32, #tpu.memory_space<vmem>> -> memref<1x128xi32, #tpu.memory_space<vmem>>
      %dma_wait3A_24 = tpu.memref_squeeze %dma_wait3A_23 : memref<1x128xi32, #tpu.memory_space<vmem>> -> memref<128xi32, #tpu.memory_space<vmem>>
      %dma_wait3A_25 = arith.constant 0 : i32
      %dma_wait3A_26 = arith.constant 0 : i32
      %dma_wait3A_27 = tpu.memref_slice %arg2[%dma_wait3A_25, %dma_wait3A_26] : memref<10000x128xf32, #tpu.memory_space<hbm>> -> memref<10000x128xf32, #tpu.memory_space<hbm>>
      tpu.wait_indirect_dma semaphore(%arg11 : memref<!tpu.dma_semaphore, #tpu.memory_space<semaphore_mem>>) src(%dma_wait3A_27 : memref<10000x128xf32, #tpu.memory_space<hbm>>) dst(%arg9 : memref<128x128xf32, #tpu.memory_space<vmem>>)
      "tpu.region"() ({
        %run_scoped3A = tpu.sem_alloc : memref<!tpu.dma_semaphore, #tpu.memory_space<semaphore_mem>>
        %dma_start3A_28 = arith.constant 0 : i32
        %dma_start3A_29 = tpu.memref_slice %arg8[%while3A_17, %dma_start3A_28] : memref<97x128xi32, #tpu.memory_space<vmem>> -> memref<1x128xi32, #tpu.memory_space<vmem>>
        %dma_start3A_30 = tpu.memref_squeeze %dma_start3A_29 : memref<1x128xi32, #tpu.memory_space<vmem>> -> memref<128xi32, #tpu.memory_space<vmem>>
        %dma_start3A_31 = arith.constant 0 : i32
        %dma_start3A_32 = arith.constant 0 : i32
        %dma_start3A_33 = tpu.memref_slice %arg10[%dma_start3A_31, %dma_start3A_32] : memref<10112x128xf32, #tpu.memory_space<vmem_shared>> -> memref<10112x128xf32, #tpu.memory_space<vmem_shared>>
        tpu.enqueue_indirect_dma source(%arg9 : memref<128x128xf32, #tpu.memory_space<vmem>>) target(%dma_start3A_33 : memref<10112x128xf32, #tpu.memory_space<vmem_shared>>) offsets(%dma_start3A_30 : memref<128xi32, #tpu.memory_space<vmem>>) semaphore(%run_scoped3A : memref<!tpu.dma_semaphore, #tpu.memory_space<semaphore_mem>>) {add = true}
        %dma_wait3A_34 = arith.constant 0 : i32
        %dma_wait3A_35 = tpu.memref_slice %arg8[%while3A_17, %dma_wait3A_34] : memref<97x128xi32, #tpu.memory_space<vmem>> -> memref<1x128xi32, #tpu.memory_space<vmem>>
        %dma_wait3A_36 = tpu.memref_squeeze %dma_wait3A_35 : memref<1x128xi32, #tpu.memory_space<vmem>> -> memref<128xi32, #tpu.memory_space<vmem>>
        %dma_wait3A_37 = arith.constant 0 : i32
        %dma_wait3A_38 = arith.constant 0 : i32
        %dma_wait3A_39 = tpu.memref_slice %arg10[%dma_wait3A_37, %dma_wait3A_38] : memref<10112x128xf32, #tpu.memory_space<vmem_shared>> -> memref<10112x128xf32, #tpu.memory_space<vmem_shared>>
        tpu.wait_indirect_dma semaphore(%run_scoped3A : memref<!tpu.dma_semaphore, #tpu.memory_space<semaphore_mem>>) src(%arg9 : memref<128x128xf32, #tpu.memory_space<vmem>>) dst(%dma_wait3A_39 : memref<10112x128xf32, #tpu.memory_space<vmem_shared>>)
        tpu.yield
      }) : () -> ()
    }
    %while3A_11 = arith.constant 1 : i32
    scf.for %while3A_17 = %while3A_9 to %while3A_5 step %while3A_11  : i32 {
      %dma_start3A = arith.constant 0 : i32
      %dma_start3A_18 = tpu.memref_slice %arg7[%while3A_17, %dma_start3A] : memref<97x128xi32, #tpu.memory_space<vmem>> -> memref<1x128xi32, #tpu.memory_space<vmem>>
      %dma_start3A_19 = tpu.memref_squeeze %dma_start3A_18 : memref<1x128xi32, #tpu.memory_space<vmem>> -> memref<128xi32, #tpu.memory_space<vmem>>
      %dma_start3A_20 = arith.constant 0 : i32
      %dma_start3A_21 = arith.constant 0 : i32
      %dma_start3A_22 = tpu.memref_slice %arg2[%dma_start3A_20, %dma_start3A_21] : memref<10000x128xf32, #tpu.memory_space<hbm>> -> memref<10000x128xf32, #tpu.memory_space<hbm>>
      tpu.enqueue_indirect_dma source(%dma_start3A_22 : memref<10000x128xf32, #tpu.memory_space<hbm>>) target(%arg9 : memref<128x128xf32, #tpu.memory_space<vmem>>) offsets(%dma_start3A_19 : memref<128xi32, #tpu.memory_space<vmem>>) semaphore(%arg11 : memref<!tpu.dma_semaphore, #tpu.memory_space<semaphore_mem>>)
      %dma_wait3A = arith.constant 0 : i32
      %dma_wait3A_23 = tpu.memref_slice %arg7[%while3A_17, %dma_wait3A] : memref<97x128xi32, #tpu.memory_space<vmem>> -> memref<1x128xi32, #tpu.memory_space<vmem>>
      %dma_wait3A_24 = tpu.memref_squeeze %dma_wait3A_23 : memref<1x128xi32, #tpu.memory_space<vmem>> -> memref<128xi32, #tpu.memory_space<vmem>>
      %dma_wait3A_25 = arith.constant 0 : i32
      %dma_wait3A_26 = arith.constant 0 : i32
      %dma_wait3A_27 = tpu.memref_slice %arg2[%dma_wait3A_25, %dma_wait3A_26] : memref<10000x128xf32, #tpu.memory_space<hbm>> -> memref<10000x128xf32, #tpu.memory_space<hbm>>
      tpu.wait_indirect_dma semaphore(%arg11 : memref<!tpu.dma_semaphore, #tpu.memory_space<semaphore_mem>>) src(%dma_wait3A_27 : memref<10000x128xf32, #tpu.memory_space<hbm>>) dst(%arg9 : memref<128x128xf32, #tpu.memory_space<vmem>>)
      "tpu.region"() ({
        %run_scoped3A = tpu.sem_alloc : memref<!tpu.dma_semaphore, #tpu.memory_space<semaphore_mem>>
        %dma_start3A_28 = arith.constant 0 : i32
        %dma_start3A_29 = tpu.memref_slice %arg8[%while3A_17, %dma_start3A_28] : memref<97x128xi32, #tpu.memory_space<vmem>> -> memref<1x128xi32, #tpu.memory_space<vmem>>
        %dma_start3A_30 = tpu.memref_squeeze %dma_start3A_29 : memref<1x128xi32, #tpu.memory_space<vmem>> -> memref<128xi32, #tpu.memory_space<vmem>>
        %dma_start3A_31 = arith.constant 0 : i32
        %dma_start3A_32 = arith.constant 0 : i32
        %dma_start3A_33 = tpu.memref_slice %arg10[%dma_start3A_31, %dma_start3A_32] : memref<10112x128xf32, #tpu.memory_space<vmem_shared>> -> memref<10112x128xf32, #tpu.memory_space<vmem_shared>>
        tpu.enqueue_indirect_dma source(%arg9 : memref<128x128xf32, #tpu.memory_space<vmem>>) target(%dma_start3A_33 : memref<10112x128xf32, #tpu.memory_space<vmem_shared>>) offsets(%dma_start3A_30 : memref<128xi32, #tpu.memory_space<vmem>>) semaphore(%run_scoped3A : memref<!tpu.dma_semaphore, #tpu.memory_space<semaphore_mem>>) {add = true}
        %dma_wait3A_34 = arith.constant 0 : i32
        %dma_wait3A_35 = tpu.memref_slice %arg8[%while3A_17, %dma_wait3A_34] : memref<97x128xi32, #tpu.memory_space<vmem>> -> memref<1x128xi32, #tpu.memory_space<vmem>>
        %dma_wait3A_36 = tpu.memref_squeeze %dma_wait3A_35 : memref<1x128xi32, #tpu.memory_space<vmem>> -> memref<128xi32, #tpu.memory_space<vmem>>
        %dma_wait3A_37 = arith.constant 0 : i32
        %dma_wait3A_38 = arith.constant 0 : i32
        %dma_wait3A_39 = tpu.memref_slice %arg10[%dma_wait3A_37, %dma_wait3A_38] : memref<10112x128xf32, #tpu.memory_space<vmem_shared>> -> memref<10112x128xf32, #tpu.memory_space<vmem_shared>>
        tpu.wait_indirect_dma semaphore(%run_scoped3A : memref<!tpu.dma_semaphore, #tpu.memory_space<semaphore_mem>>) src(%arg9 : memref<128x128xf32, #tpu.memory_space<vmem>>) dst(%dma_wait3A_39 : memref<10112x128xf32, #tpu.memory_space<vmem_shared>>)
        tpu.yield
      }) : () -> ()
    }
    %barrier3A_12 = arith.constant 0 : index
    tpu.barrier barrier_id(%barrier3A_12)
    %mul3A_13 = arith.constant 632 : i32
    %mul3A_14 = arith.muli %arg1, %mul3A_13 : i32
    %mul3A_15 = arith.constant 632 : i32
    %mul3A_16 = arith.muli %arg1, %mul3A_15 : i32
    "tpu.region"() ({
      %run_scoped3A = tpu.sem_alloc : memref<!tpu.dma_semaphore, #tpu.memory_space<semaphore_mem>>
      %dma_start3A = arith.constant 0 : i32
      %dma_start3A_17 = tpu.memref_slice %arg6[%arg0, %mul3A_16, %dma_start3A] : memref<2x10112x128xf32, #tpu.memory_space<hbm>> -> memref<1x632x128xf32, #tpu.memory_space<hbm>>
      %dma_start3A_18 = tpu.memref_squeeze %dma_start3A_17 : memref<1x632x128xf32, #tpu.memory_space<hbm>> -> memref<632x128xf32, #tpu.memory_space<hbm>>
      %dma_start3A_19 = arith.constant 0 : i32
      %dma_start3A_20 = tpu.memref_slice %arg10[%mul3A_14, %dma_start3A_19] : memref<10112x128xf32, #tpu.memory_space<vmem_shared>> -> memref<632x128xf32, #tpu.memory_space<vmem_shared>>
      tpu.enqueue_dma source(%dma_start3A_20 : memref<632x128xf32, #tpu.memory_space<vmem_shared>>) target(%dma_start3A_18 : memref<632x128xf32, #tpu.memory_space<hbm>>) target_semaphore(%run_scoped3A : memref<!tpu.dma_semaphore, #tpu.memory_space<semaphore_mem>>)
      %dma_wait3A = arith.constant 0 : i32
      %dma_wait3A_21 = tpu.memref_slice %arg6[%arg0, %mul3A_16, %dma_wait3A] : memref<2x10112x128xf32, #tpu.memory_space<hbm>> -> memref<1x632x128xf32, #tpu.memory_space<hbm>>
      %dma_wait3A_22 = tpu.memref_squeeze %dma_wait3A_21 : memref<1x632x128xf32, #tpu.memory_space<hbm>> -> memref<632x128xf32, #tpu.memory_space<hbm>>
      %dma_wait3A_23 = arith.constant 0 : i32
      %dma_wait3A_24 = tpu.memref_slice %arg10[%mul3A_14, %dma_wait3A_23] : memref<10112x128xf32, #tpu.memory_space<vmem_shared>> -> memref<632x128xf32, #tpu.memory_space<vmem_shared>>
      tpu.wait_dma2 semaphore(%run_scoped3A : memref<!tpu.dma_semaphore, #tpu.memory_space<semaphore_mem>>) src(%dma_wait3A_24 : memref<632x128xf32, #tpu.memory_space<vmem_shared>>) dst(%dma_wait3A_22 : memref<632x128xf32, #tpu.memory_space<hbm>>)
      tpu.yield
    }) : () -> ()
    return
  }
}

module attributes {stable_mosaic.version = 14 : i64} {
  func.func @body(%arg0: i32, %arg1: memref<2000x128xf32, #tpu.memory_space<vmem>>, %arg2: memref<128x128xf32, #tpu.memory_space<vmem>>, %arg3: memref<1x128xf32, #tpu.memory_space<vmem>>, %arg4: memref<2000x128xf32, #tpu.memory_space<vmem>>) attributes {dimension_semantics = [#tpu.dimension_semantics<arbitrary>], iteration_bounds = array<i64: 5>, scalar_prefetch = 0 : i64, scratch_operands = 0 : i64, tpu.core_type = #tpu.core_type<tc>, window_params = [{transform_indices = @transform_0, window_bounds = array<i64: 2000, 128>}, {pipeline_mode = #tpu.pipeline_mode<synchronous>, transform_indices = @transform_1, window_bounds = array<i64: 128, 128>}, {pipeline_mode = #tpu.pipeline_mode<synchronous>, transform_indices = @transform_2, window_bounds = array<i64: 1, 128>}, {transform_indices = @transform_3, window_bounds = array<i64: 2000, 128>}]} {
    %get3A = arith.constant 0 : index
    %get3A_0 = arith.constant 0 : index
    %get3A_1 = vector.load %arg1[%get3A, %get3A_0] : memref<2000x128xf32, #tpu.memory_space<vmem>>, vector<2000x128xf32>
    %get3A_2 = arith.constant 0 : index
    %get3A_3 = arith.constant 0 : index
    %get3A_4 = vector.load %arg2[%get3A_2, %get3A_3] : memref<128x128xf32, #tpu.memory_space<vmem>>, vector<128x128xf32>
    %dot_general3A = arith.constant dense<0.000000e+00> : vector<2000x128xf32>
    %dot_general3A_5 = tpu.matmul %get3A_1, %get3A_4, %dot_general3A {dimension_numbers = #tpu.dot_dimension_numbers<[1], [0], [0], [1], [0, 0, 1, 1], [], []>, transpose_lhs_hint = false} : vector<2000x128xf32>, vector<128x128xf32>, vector<2000x128xf32> -> vector<2000x128xf32>
    %get3A_6 = arith.constant 0 : index
    %get3A_7 = arith.constant 0 : index
    %get3A_8 = vector.load %arg3[%get3A_6, %get3A_7] : memref<1x128xf32, #tpu.memory_space<vmem>>, vector<1x128xf32>
    %add3A = vector.broadcast %get3A_8 : vector<1x128xf32> to vector<2000x128xf32>
    %add3A_9 = arith.addf %dot_general3A_5, %add3A : vector<2000x128xf32>
    %max3A = arith.constant 0.000000e+00 : f32
    %max3A_10 = vector.broadcast %max3A : f32 to vector<2000x128xf32>
    %max3A_11 = arith.maximumf %add3A_9, %max3A_10 : vector<2000x128xf32>
    %swap3A = arith.constant 0 : index
    %swap3A_12 = arith.constant 0 : index
    %swap3A_13 = vector.load %arg4[%swap3A, %swap3A_12] : memref<2000x128xf32, #tpu.memory_space<vmem>>, vector<2000x128xf32>
    tpu.vector_store %arg4[%swap3A, %swap3A_12], %max3A_11 {strides = array<i32>} : memref<2000x128xf32, #tpu.memory_space<vmem>>, vector<2000x128xf32>,
    return
  }
  func.func @transform_0(%arg0: i32) -> (i32, i32) {
    %c0_i32 = arith.constant 0 : i32
    %c0_i32_0 = arith.constant 0 : i32
    return %arg0, %c0_i32 : i32, i32
  }
  func.func @transform_1(%arg0: i32) -> (i32, i32) {
    %c0_i32 = arith.constant 0 : i32
    %c0_i32_0 = arith.constant 0 : i32
    %c0_i32_1 = arith.constant 0 : i32
    return %c0_i32, %c0_i32_0 : i32, i32
  }
  func.func @transform_2(%arg0: i32) -> (i32, i32) {
    %c0_i32 = arith.constant 0 : i32
    %c0_i32_0 = arith.constant 0 : i32
    %c0_i32_1 = arith.constant 0 : i32
    return %c0_i32, %c0_i32_0 : i32, i32
  }
  func.func @transform_3(%arg0: i32) -> (i32, i32) {
    %c0_i32 = arith.constant 0 : i32
    %c0_i32_0 = arith.constant 0 : i32
    return %arg0, %c0_i32 : i32, i32
  }
}

module attributes {stable_mosaic.version = 14 : i64} {
  func.func @body(%arg0: i32, %arg1: memref<2000x128xf32, #tpu.memory_space<vmem>>, %arg2: memref<2x2000x128xf32, #tpu.memory_space<vmem>>, %arg3: memref<128x128xf32, #tpu.memory_space<vmem>>, %arg4: memref<1x128xf32, #tpu.memory_space<vmem>>, %arg5: memref<1x1xf32, #tpu.memory_space<vmem>>, %arg6: memref<2000x128xf32, #tpu.memory_space<vmem>>) attributes {dimension_semantics = [#tpu.dimension_semantics<arbitrary>], iteration_bounds = array<i64: 5>, scalar_prefetch = 0 : i64, scratch_operands = 0 : i64, tpu.core_type = #tpu.core_type<tc>, window_params = [{transform_indices = @transform_0, window_bounds = array<i64: 2000, 128>}, {transform_indices = @transform_1, window_bounds = array<i64: 2, 2000, 128>}, {pipeline_mode = #tpu.pipeline_mode<synchronous>, transform_indices = @transform_2, window_bounds = array<i64: 128, 128>}, {pipeline_mode = #tpu.pipeline_mode<synchronous>, transform_indices = @transform_3, window_bounds = array<i64: 1, 128>}, {pipeline_mode = #tpu.pipeline_mode<synchronous>, transform_indices = @transform_4, window_bounds = array<i64: 1, 1>}, {transform_indices = @transform_5, window_bounds = array<i64: 2000, 128>}]} {
    %get3A = arith.constant 0 : index
    %get3A_0 = arith.constant 0 : index
    %get3A_1 = vector.load %arg1[%get3A, %get3A_0] : memref<2000x128xf32, #tpu.memory_space<vmem>>, vector<2000x128xf32>
    %get3A_2 = arith.constant 0 : index
    %get3A_3 = arith.constant 0 : index
    %get3A_4 = arith.constant 0 : index
    %get3A_5 = vector.load %arg2[%get3A_2, %get3A_3, %get3A_4] : memref<2x2000x128xf32, #tpu.memory_space<vmem>>, vector<1x2000x128xf32>
    %get3A_6 = vector.shape_cast %get3A_5 : vector<1x2000x128xf32> to vector<2000x128xf32>
    %add3A = arith.addf %get3A_1, %get3A_6 : vector<2000x128xf32>
    %get3A_7 = arith.constant 1 : index
    %get3A_8 = arith.constant 0 : index
    %get3A_9 = arith.constant 0 : index
    %get3A_10 = vector.load %arg2[%get3A_7, %get3A_8, %get3A_9] : memref<2x2000x128xf32, #tpu.memory_space<vmem>>, vector<1x2000x128xf32>
    %get3A_11 = vector.shape_cast %get3A_10 : vector<1x2000x128xf32> to vector<2000x128xf32>
    %add3A_12 = arith.addf %add3A, %get3A_11 : vector<2000x128xf32>
    %get3A_13 = arith.constant 0 : index
    %get3A_14 = arith.constant 0 : index
    %get3A_15 = vector.load %arg3[%get3A_13, %get3A_14] : memref<128x128xf32, #tpu.memory_space<vmem>>, vector<128x128xf32>
    %dot_general3A = arith.constant dense<0.000000e+00> : vector<2000x128xf32>
    %dot_general3A_16 = tpu.matmul %add3A_12, %get3A_15, %dot_general3A {dimension_numbers = #tpu.dot_dimension_numbers<[1], [0], [0], [1], [0, 0, 1, 1], [], []>, transpose_lhs_hint = false} : vector<2000x128xf32>, vector<128x128xf32>, vector<2000x128xf32> -> vector<2000x128xf32>
    %get3A_17 = arith.constant 0 : index
    %get3A_18 = arith.constant 0 : index
    %get3A_19 = vector.load %arg4[%get3A_17, %get3A_18] : memref<1x128xf32, #tpu.memory_space<vmem>>, vector<1x128xf32>
    %add3A_20 = vector.broadcast %get3A_19 : vector<1x128xf32> to vector<2000x128xf32>
    %add3A_21 = arith.addf %dot_general3A_16, %add3A_20 : vector<2000x128xf32>
    %max3A = arith.constant 0.000000e+00 : f32
    %max3A_22 = vector.broadcast %max3A : f32 to vector<2000x128xf32>
    %max3A_23 = arith.maximumf %add3A_21, %max3A_22 : vector<2000x128xf32>
    %get3A_24 = arith.constant 0 : index
    %get3A_25 = arith.constant 0 : index
    %get3A_26 = vector.load %arg5[%get3A_24, %get3A_25] : memref<1x1xf32, #tpu.memory_space<vmem>>, vector<1x1xf32>
    %get3A_27 = vector.extract %get3A_26[0, 0] : f32 from vector<1x1xf32>
    %mul3A = vector.broadcast %get3A_27 : f32 to vector<2000x128xf32>
    %mul3A_28 = arith.mulf %mul3A, %get3A_1 : vector<2000x128xf32>
    %add3A_29 = arith.addf %max3A_23, %mul3A_28 : vector<2000x128xf32>
    %swap3A = arith.constant 0 : index
    %swap3A_30 = arith.constant 0 : index
    %swap3A_31 = vector.load %arg6[%swap3A, %swap3A_30] : memref<2000x128xf32, #tpu.memory_space<vmem>>, vector<2000x128xf32>
    tpu.vector_store %arg6[%swap3A, %swap3A_30], %add3A_29 {strides = array<i32>} : memref<2000x128xf32, #tpu.memory_space<vmem>>, vector<2000x128xf32>,
    return
  }
  func.func @transform_0(%arg0: i32) -> (i32, i32) {
    %c0_i32 = arith.constant 0 : i32
    %c0_i32_0 = arith.constant 0 : i32
    return %arg0, %c0_i32 : i32, i32
  }
  func.func @transform_1(%arg0: i32) -> (i32, i32, i32) {
    %c0_i32 = arith.constant 0 : i32
    %c0_i32_0 = arith.constant 0 : i32
    %c0_i32_1 = arith.constant 0 : i32
    return %c0_i32, %arg0, %c0_i32_0 : i32, i32, i32
  }
  func.func @transform_2(%arg0: i32) -> (i32, i32) {
    %c0_i32 = arith.constant 0 : i32
    %c0_i32_0 = arith.constant 0 : i32
    %c0_i32_1 = arith.constant 0 : i32
    return %c0_i32, %c0_i32_0 : i32, i32
  }
  func.func @transform_3(%arg0: i32) -> (i32, i32) {
    %c0_i32 = arith.constant 0 : i32
    %c0_i32_0 = arith.constant 0 : i32
    %c0_i32_1 = arith.constant 0 : i32
    return %c0_i32, %c0_i32_0 : i32, i32
  }
  func.func @transform_4(%arg0: i32) -> (i32, i32) {
    %c0_i32 = arith.constant 0 : i32
    %c0_i32_0 = arith.constant 0 : i32
    %c0_i32_1 = arith.constant 0 : i32
    return %c0_i32, %c0_i32_0 : i32, i32
  }
  func.func @transform_5(%arg0: i32) -> (i32, i32) {
    %c0_i32 = arith.constant 0 : i32
    %c0_i32_0 = arith.constant 0 : i32
    return %arg0, %c0_i32 : i32, i32
  }
}

module attributes {stable_mosaic.version = 14 : i64} {
  func.func @body(%arg0: i32, %arg1: memref<2000x128xf32, #tpu.memory_space<vmem>>, %arg2: memref<2x2000x128xf32, #tpu.memory_space<vmem>>, %arg3: memref<128x128xf32, #tpu.memory_space<vmem>>, %arg4: memref<1x128xf32, #tpu.memory_space<vmem>>, %arg5: memref<1x1xf32, #tpu.memory_space<vmem>>, %arg6: memref<128x40xf32, #tpu.memory_space<vmem>>, %arg7: memref<1x40xf32, #tpu.memory_space<vmem>>, %arg8: memref<2000x40xf32, #tpu.memory_space<vmem>>) attributes {dimension_semantics = [#tpu.dimension_semantics<arbitrary>], iteration_bounds = array<i64: 5>, scalar_prefetch = 0 : i64, scratch_operands = 0 : i64, tpu.core_type = #tpu.core_type<tc>, window_params = [{transform_indices = @transform_0, window_bounds = array<i64: 2000, 128>}, {transform_indices = @transform_1, window_bounds = array<i64: 2, 2000, 128>}, {pipeline_mode = #tpu.pipeline_mode<synchronous>, transform_indices = @transform_2, window_bounds = array<i64: 128, 128>}, {pipeline_mode = #tpu.pipeline_mode<synchronous>, transform_indices = @transform_3, window_bounds = array<i64: 1, 128>}, {pipeline_mode = #tpu.pipeline_mode<synchronous>, transform_indices = @transform_4, window_bounds = array<i64: 1, 1>}, {pipeline_mode = #tpu.pipeline_mode<synchronous>, transform_indices = @transform_5, window_bounds = array<i64: 128, 40>}, {pipeline_mode = #tpu.pipeline_mode<synchronous>, transform_indices = @transform_6, window_bounds = array<i64: 1, 40>}, {transform_indices = @transform_7, window_bounds = array<i64: 2000, 40>}]} {
    %get3A = arith.constant 0 : index
    %get3A_0 = arith.constant 0 : index
    %get3A_1 = vector.load %arg1[%get3A, %get3A_0] : memref<2000x128xf32, #tpu.memory_space<vmem>>, vector<2000x128xf32>
    %get3A_2 = arith.constant 0 : index
    %get3A_3 = arith.constant 0 : index
    %get3A_4 = arith.constant 0 : index
    %get3A_5 = vector.load %arg2[%get3A_2, %get3A_3, %get3A_4] : memref<2x2000x128xf32, #tpu.memory_space<vmem>>, vector<1x2000x128xf32>
    %get3A_6 = vector.shape_cast %get3A_5 : vector<1x2000x128xf32> to vector<2000x128xf32>
    %add3A = arith.addf %get3A_1, %get3A_6 : vector<2000x128xf32>
    %get3A_7 = arith.constant 1 : index
    %get3A_8 = arith.constant 0 : index
    %get3A_9 = arith.constant 0 : index
    %get3A_10 = vector.load %arg2[%get3A_7, %get3A_8, %get3A_9] : memref<2x2000x128xf32, #tpu.memory_space<vmem>>, vector<1x2000x128xf32>
    %get3A_11 = vector.shape_cast %get3A_10 : vector<1x2000x128xf32> to vector<2000x128xf32>
    %add3A_12 = arith.addf %add3A, %get3A_11 : vector<2000x128xf32>
    %get3A_13 = arith.constant 0 : index
    %get3A_14 = arith.constant 0 : index
    %get3A_15 = vector.load %arg3[%get3A_13, %get3A_14] : memref<128x128xf32, #tpu.memory_space<vmem>>, vector<128x128xf32>
    %dot_general3A = arith.constant dense<0.000000e+00> : vector<2000x128xf32>
    %dot_general3A_16 = tpu.matmul %add3A_12, %get3A_15, %dot_general3A {dimension_numbers = #tpu.dot_dimension_numbers<[1], [0], [0], [1], [0, 0, 1, 1], [], []>, transpose_lhs_hint = false} : vector<2000x128xf32>, vector<128x128xf32>, vector<2000x128xf32> -> vector<2000x128xf32>
    %get3A_17 = arith.constant 0 : index
    %get3A_18 = arith.constant 0 : index
    %get3A_19 = vector.load %arg4[%get3A_17, %get3A_18] : memref<1x128xf32, #tpu.memory_space<vmem>>, vector<1x128xf32>
    %add3A_20 = vector.broadcast %get3A_19 : vector<1x128xf32> to vector<2000x128xf32>
    %add3A_21 = arith.addf %dot_general3A_16, %add3A_20 : vector<2000x128xf32>
    %max3A = arith.constant 0.000000e+00 : f32
    %max3A_22 = vector.broadcast %max3A : f32 to vector<2000x128xf32>
    %max3A_23 = arith.maximumf %add3A_21, %max3A_22 : vector<2000x128xf32>
    %get3A_24 = arith.constant 0 : index
    %get3A_25 = arith.constant 0 : index
    %get3A_26 = vector.load %arg5[%get3A_24, %get3A_25] : memref<1x1xf32, #tpu.memory_space<vmem>>, vector<1x1xf32>
    %get3A_27 = vector.extract %get3A_26[0, 0] : f32 from vector<1x1xf32>
    %mul3A = vector.broadcast %get3A_27 : f32 to vector<2000x128xf32>
    %mul3A_28 = arith.mulf %mul3A, %get3A_1 : vector<2000x128xf32>
    %add3A_29 = arith.addf %max3A_23, %mul3A_28 : vector<2000x128xf32>
    %get3A_30 = arith.constant 0 : index
    %get3A_31 = arith.constant 0 : index
    %get3A_32 = vector.load %arg6[%get3A_30, %get3A_31] : memref<128x40xf32, #tpu.memory_space<vmem>>, vector<128x40xf32>
    %dot_general3A_33 = arith.constant dense<0.000000e+00> : vector<2000x40xf32>
    %dot_general3A_34 = tpu.matmul %add3A_29, %get3A_32, %dot_general3A_33 {dimension_numbers = #tpu.dot_dimension_numbers<[1], [0], [0], [1], [0, 0, 1, 1], [], []>, transpose_lhs_hint = false} : vector<2000x128xf32>, vector<128x40xf32>, vector<2000x40xf32> -> vector<2000x40xf32>
    %get3A_35 = arith.constant 0 : index
    %get3A_36 = arith.constant 0 : index
    %get3A_37 = vector.load %arg7[%get3A_35, %get3A_36] : memref<1x40xf32, #tpu.memory_space<vmem>>, vector<1x40xf32>
    %add3A_38 = vector.broadcast %get3A_37 : vector<1x40xf32> to vector<2000x40xf32>
    %add3A_39 = arith.addf %dot_general3A_34, %add3A_38 : vector<2000x40xf32>
    %reduce_max3A = arith.constant dense<0xFF800000> : vector<2000xf32>
    %reduce_max3A_40 = vector.multi_reduction <maximumf>, %add3A_39, %reduce_max3A [1] : vector<2000x40xf32> to vector<2000xf32>
    %broadcast_in_dim3A = vector.shape_cast %reduce_max3A_40 : vector<2000xf32> to vector<2000x1xf32>
    %sub3A = vector.broadcast %broadcast_in_dim3A : vector<2000x1xf32> to vector<2000x40xf32>
    %sub3A_41 = arith.subf %add3A_39, %sub3A : vector<2000x40xf32>
    %exp3A = math.exp %sub3A_41 : vector<2000x40xf32>
    %reduce_sum3A = arith.constant dense<0.000000e+00> : vector<2000xf32>
    %reduce_sum3A_42 = vector.multi_reduction <add>, %exp3A, %reduce_sum3A [1] : vector<2000x40xf32> to vector<2000xf32>
    %broadcast_in_dim3A_43 = vector.shape_cast %reduce_sum3A_42 : vector<2000xf32> to vector<2000x1xf32>
    %log3A = math.log %broadcast_in_dim3A_43 : vector<2000x1xf32>
    %add3A_44 = arith.addf %log3A, %broadcast_in_dim3A : vector<2000x1xf32>
    %sub3A_45 = vector.broadcast %add3A_44 : vector<2000x1xf32> to vector<2000x40xf32>
    %sub3A_46 = arith.subf %add3A_39, %sub3A_45 : vector<2000x40xf32>
    %swap3A = arith.constant 0 : index
    %swap3A_47 = arith.constant 0 : index
    %swap3A_48 = vector.load %arg8[%swap3A, %swap3A_47] : memref<2000x40xf32, #tpu.memory_space<vmem>>, vector<2000x40xf32>
    tpu.vector_store %arg8[%swap3A, %swap3A_47], %sub3A_46 {strides = array<i32>} : memref<2000x40xf32, #tpu.memory_space<vmem>>, vector<2000x40xf32>,
    return
  }
  func.func @transform_0(%arg0: i32) -> (i32, i32) {
    %c0_i32 = arith.constant 0 : i32
    %c0_i32_0 = arith.constant 0 : i32
    return %arg0, %c0_i32 : i32, i32
  }
  func.func @transform_1(%arg0: i32) -> (i32, i32, i32) {
    %c0_i32 = arith.constant 0 : i32
    %c0_i32_0 = arith.constant 0 : i32
    %c0_i32_1 = arith.constant 0 : i32
    return %c0_i32, %arg0, %c0_i32_0 : i32, i32, i32
  }
  func.func @transform_2(%arg0: i32) -> (i32, i32) {
    %c0_i32 = arith.constant 0 : i32
    %c0_i32_0 = arith.constant 0 : i32
    %c0_i32_1 = arith.constant 0 : i32
    return %c0_i32, %c0_i32_0 : i32, i32
  }
  func.func @transform_3(%arg0: i32) -> (i32, i32) {
    %c0_i32 = arith.constant 0 : i32
    %c0_i32_0 = arith.constant 0 : i32
    %c0_i32_1 = arith.constant 0 : i32
    return %c0_i32, %c0_i32_0 : i32, i32
  }
  func.func @transform_4(%arg0: i32) -> (i32, i32) {
    %c0_i32 = arith.constant 0 : i32
    %c0_i32_0 = arith.constant 0 : i32
    %c0_i32_1 = arith.constant 0 : i32
    return %c0_i32, %c0_i32_0 : i32, i32
  }
  func.func @transform_5(%arg0: i32) -> (i32, i32) {
    %c0_i32 = arith.constant 0 : i32
    %c0_i32_0 = arith.constant 0 : i32
    %c0_i32_1 = arith.constant 0 : i32
    return %c0_i32, %c0_i32_0 : i32, i32
  }
  func.func @transform_6(%arg0: i32) -> (i32, i32) {
    %c0_i32 = arith.constant 0 : i32
    %c0_i32_0 = arith.constant 0 : i32
    %c0_i32_1 = arith.constant 0 : i32
    return %c0_i32, %c0_i32_0 : i32, i32
  }
  func.func @transform_7(%arg0: i32) -> (i32, i32) {
    %c0_i32 = arith.constant 0 : i32
    %c0_i32_0 = arith.constant 0 : i32
    return %arg0, %c0_i32 : i32, i32
  }
}

</mosaic_0001>

<sc_bundles>
// kernel: kernel.10.cloned.1.call-start
scs
__scs_entry_jumppad:
0x0: {  	(pc) =	sbr.rel $0x88, $3  }
0x1: {  	(tag) =	ssettag $0x0;
	lr =	simm.s32 $0x1  }
0x2: {  	[smem:$0x3F96] =	sst lr;
	_ =	strace $0xD0000000  }
0x3: {  	_ = 	snop  }
0x4: {  	_ = 	snop  }
0x5: {  	_ = 	snop  }
0x6: {  	_ = 	snop  }
0x7: {  	_ = 	snop  }
__scs_overlays_trampoline_lowered:
0x8: {  	[smem:$0x3FA5] =	sst s0  }
0x9: {  	[smem:$0x3FA6] =	sst s1  }
0xa: {  	[smem:$0x3FA7] =	sst s2  }
0xb: {  	[smem:$0x3FA8] =	sst s3  }
0xc: {  	[smem:$0x3FA9] =	sst s4  }
0xd: {  	[smem:$0x3FAA] =	sst s5  }
0xe: {  	[smem:$0x3FAB] =	sst s6  }
0xf: {  	[smem:$0x3FAC] =	sst s7  }
0x10: {  	[smem:$0x3FAD] =	sst s8  }
0x11: {  	[smem:$0x3FAE] =	sst s9;
	s0 =	simm.s32 @!p0 $0x0  }
0x12: {  	s1 =	sld [smem:$0x3F94];
	s0 =	simm.s32 @p0 $0x1  }
0x13: {  	[smem:$0x3FAF] =	sst s0;
	s0 =	simm.s32 @!p1 $0x0  }
0x14: {  	s2 =	sld [smem:$0x3F93];
	s0 =	simm.s32 @p1 $0x1  }
0x15: {  	[smem:$0x3FB0] =	sst s0;
	s0 =	simm.s32 @!p2 $0x0  }
0x16: {  	s3 =	sld [smem:$0x3FDB];
	s0 =	simm.s32 @p2 $0x1  }
0x17: {  	s4 =	simm.s32 $0x1BF5;
	[smem:$0x3FB2] =	sst s0  }
0x18: {  	s0 =	sld [smem:$0x3F95];
	_ =	swait.ge [sflag:s4], $0x0  }
0x19: {  	s7 =	sld [smem:$0x3F96]  }
0x1a: {  	s8 =	sadd.s32 $0xFFFFE003, lr  }
0x1b: {  	s9 =	sadd.s32 $0xFFFFFEF7, lr;
	s5 =	simm.s32 $0xFFFFFFFF;
	p2 =	slt.u32 s8, $0xFFFFF086  }
0x1c: {  	p1 =	slt.u32 s9, $0xF7A;
	s5 =	simm.s32 @!p2 $0x0  }
0x1d: {  	s5 =	simm.s32 @p1 $0x1;
	p0 =	seq.s32 s7, s2  }
0x1e: {  	s7 =	smul.u32 @!p0 $0xF7A, s2;
	p2 =	seq.s32 @!p0 s5, $0x0  }
0x1f: {  	s9 =	smul.u32 $0xF7A, s1;
	s8 =	simm.s32 @!p0 $0x1BF5;
	p2 =	por !p2, p0  }
0x20: {  	[sflag:s8] =	ssyncset.s32 @!p0 $0xFFFFF086;
	s6 =	sadd.s32 @!p0 s3, s7;
	s7 =	simm.s32 @!p0 $0x108  }
0x21: {  	s3 =	sadd.s32 s3, s9;
	s6 =	sadd.s32 @!p0 $0x88, s6;
	s7 =	simm.s32 @p2 $0x1082  }
0x22: {  	[simem:s7], [sflag:s8] =	dma.local @!p0 [hbm:s6], $0xF7A  }
0x23: {  	s9 =	sor.u32 $0xD0000000, s2;
	s6 =	simm.s32 $0x108;
	_ =	swait.ge @!p0 [sflag:s8], $0x0  }
0x24: {  	s3 =	sadd.s32 $0x88, s3;
	s6 =	simm.s32 @!p1 $0x1082;
	[sflag:s4] =	ssyncset.s32 $0xFFFFF086  }
0x25: {  	[simem:s6], [sflag:s4] =	dma.local [hbm:s3], $0xF7A  }
0x26: {  	[smem:$0x3F96] =	sst s1;
	(tag) =	ssettag s2;
	_ =	strace s9  }
0x27: {  	s1 =	sld [smem:$0x3FA6]  }
0x28: {  	s2 =	sld [smem:$0x3FA7]  }
0x29: {  	s4 =	sld [smem:$0x3FA9]  }
0x2a: {  	p0 =	seq.s32 s5, $0x0;
	s5 =	sld [smem:$0x3FAA]  }
0x2b: {  	s6 =	sld [smem:$0x3FAB]  }
0x2c: {  	s7 =	sld [smem:$0x3FAC]  }
0x2d: {  	s3 =	simm.s32 $0x108;
	s8 =	sld [smem:$0x3FAD]  }
0x2e: {  	s3 =	simm.s32 @!p0 $0x1082;
	s9 =	sld [smem:$0x3FAE]  }
0x2f: {  	lr =	sadd.s32 s0, s3;
	s0 =	sld [smem:$0x3FA5]  }
0x30: {  	s3 =	sld [smem:$0x3FA8]  }
0x31: {  	[smem:$0x3FB1] =	sst s10  }
0x32: {  	s10 =	sld [smem:$0x3FAF];
	_ =	sdelay $0x3  }
0x33: {  	p0 =	seq.s32 s10, $0x1;
	s10 =	sld [smem:$0x3FB1];
	_ =	sdelay $0x3  }
0x34: {  	[smem:$0x3FB1] =	sst s10  }
0x35: {  	s10 =	sld [smem:$0x3FB0];
	_ =	sdelay $0x3  }
0x36: {  	p1 =	seq.s32 s10, $0x1;
	s10 =	sld [smem:$0x3FB1];
	_ =	sdelay $0x3  }
0x37: {  	[smem:$0x3FB1] =	sst s10  }
0x38: {  	s10 =	sld [smem:$0x3FB2]  }
0x39: {  	_ = 	snop;
	(pc) =	sbr.ind lr, $3  }
0x3a: {  	_ = 	snop  }
0x3b: {  	_ = 	snop  }
0x3c: {  	p2 =	seq.s32 s10, $0x1;
	s10 =	sld [smem:$0x3FB1]  }
0x3d: {  	_ =	shalt  }
0x3e: {  	_ =	shalt  }
0x3f: {  	_ =	shalt  }
0x40: {  	_ =	shalt  }
0x41: {  	_ =	shalt  }
0x42: {  	_ =	shalt  }
0x43: {  	_ =	shalt  }
0x44: {  	_ =	shalt  }
0x45: {  	_ =	shalt  }
0x46: {  	_ =	shalt  }
0x47: {  	_ =	shalt  }
0x48: {  	_ =	shalt  }
0x49: {  	_ =	shalt  }
0x4a: {  	_ =	shalt  }
0x4b: {  	_ =	shalt  }
0x4c: {  	_ =	shalt  }
0x4d: {  	_ =	shalt  }
0x4e: {  	_ =	shalt  }
0x4f: {  	_ =	shalt  }
0x50: {  	_ =	shalt  }
0x51: {  	_ =	shalt  }
0x52: {  	_ =	shalt  }
0x53: {  	_ =	shalt  }
0x54: {  	_ =	shalt  }
0x55: {  	_ =	shalt  }
0x56: {  	_ =	shalt  }
0x57: {  	_ =	shalt  }
0x58: {  	_ =	shalt  }
0x59: {  	_ =	shalt  }
0x5a: {  	_ =	shalt  }
0x5b: {  	_ =	shalt  }
0x5c: {  	_ =	shalt  }
0x5d: {  	_ =	shalt  }
0x5e: {  	_ =	shalt  }
0x5f: {  	_ =	shalt  }
0x60: {  	_ =	shalt  }
0x61: {  	_ =	shalt  }
0x62: {  	_ =	shalt  }
0x63: {  	_ =	shalt  }
0x64: {  	_ =	shalt  }
0x65: {  	_ =	shalt  }
0x66: {  	_ =	shalt  }
0x67: {  	_ =	shalt  }
0x68: {  	_ =	shalt  }
0x69: {  	_ =	shalt  }
0x6a: {  	_ =	shalt  }
0x6b: {  	_ =	shalt  }
0x6c: {  	_ =	shalt  }
0x6d: {  	_ =	shalt  }
0x6e: {  	_ =	shalt  }
0x6f: {  	_ =	shalt  }
0x70: {  	_ =	shalt  }
0x71: {  	_ =	shalt  }
0x72: {  	_ =	shalt  }
0x73: {  	_ =	shalt  }
0x74: {  	_ =	shalt  }
0x75: {  	_ =	shalt  }
0x76: {  	_ =	shalt  }
0x77: {  	_ =	shalt  }
0x78: {  	_ =	shalt  }
0x79: {  	_ =	shalt  }
0x7a: {  	_ =	shalt  }
0x7b: {  	_ =	shalt  }
0x7c: {  	_ =	shalt  }
0x7d: {  	_ =	shalt  }
0x7e: {  	_ =	shalt  }
0x7f: {  	_ =	shalt  }
0x80: {  	_ =	shalt  }
0x81: {  	_ =	shalt  }
0x82: {  	_ =	shalt  }
0x83: {  	_ =	shalt  }
0x84: {  	_ =	shalt  }
0x85: {  	_ =	shalt  }
0x86: {  	_ =	shalt  }
0x87: {  	_ =	shalt  }
.Lfunc_end0:
.L_simem_size_0:
called_computation.1_lowered:
.L_overlay_start_0:
0x88: {  	s2 =	sld [smem:$0x3FD9]  }
0x89: {  	s3 =	sld [smem:$0x3FFE];
	_ =	sdelay $0x1  }
0x8a: {  	s1 =	srdreg.scid  }
0x8b: {  	s0 =	sand.u32 $0x1, s1  }
0x8c: {  	s17 =	sshll.u32 s0, $0xA;
	s2 =	sadd.s32 s3, s2  }
0x8d: {  	s2 =	sadd.s32 s2, s17  }
0x8e: {  	[smem:$0x3FBD] =	sst s2  }
0x8f: {  	_ = 	snop  }
0x90: {  	s2 =	sld [smem:$0x3FD0];
	(tm) =	ssettm $0x1  }
0x91: {  	s18 =	sld [smem:$0x3FFB];
	_ =	sdelay $0x3  }
0x92: {  	_ =	strace s18  }
0x93: {  	s3 =	sld [smem:$0x3FFC];
	_ =	sdelay $0x3  }
0x94: {  	_ =	strace s3  }
0x95: {  	s3 =	sld [smem:$0x3FFD];
	_ =	sdelay $0x3  }
0x96: {  	_ =	strace s3  }
0x97: {  	_ =	strace $0x8FFFFFFF  }
0x98: {  	s19 =	sld [smem:$0x3FDB];
	_ =	sdelay $0x1  }
0x99: {  	s4 =	simm.s32 $_scs_section_size  }
0x9a: {  	s5 =	simm.s32 $_size__tile_overlayer_lowered;
	s6 =	simm.s32 $_tile_overlayer_lowered  }
0x9b: {  	s22 =	simm.s32 $0x1BFF;
	s21 =	sshll.u32 s6, $0x1;
	s3 =	sadd.s32 s4, s19  }
0x9c: {  	s7 =	simm.s32 $0x0;
	s20 =	sshll.u32 s5, $0x1;
	s5 =	sadd.s32 s21, s3  }
0x9d: {  	[timem:s7], [sflag:s22] =	dma.local [hbm:s5], s20  }
0x9e: {  	_ =	swait.ge [sflag:s22], s20  }
0x9f: {  	s4 =	ssub.s32 $0x0, s20;
	[sflag:s22] =	ssyncset.done $0x0  }
0xa0: {  	[sflag:s22] =	ssyncadd.s32 s4;
	_ =	sdelay $0x1  }
0xa1: {  	s23 =	simm.s32 $0x1B8B  }
0xa2: {  	_ =	swait.ge [sflag:s23], $0x1  }
0xa3: {  	[sflag:s23] =	ssyncset.done $0x0  }
0xa4: {  	s25 =	simm.s32 $0x1B8E;
	s24 =	sld [smem:$0x3FFE];
	[sflag:s23] =	ssyncadd.s32 $0xFFFFFFFF  }
0xa5: {  	s26 =	simm.s32 $execute0_lowered;
	[smem:$0x3FD2] =	sst s25  }
0xa6: {  	s5 =	sshll.u32 s26, $0x1;
	_ =	strace $0x80000049;
	[dreg:$0x1] =	wrdreg $0xFFFFFFFF  }
0xa7: {  	s28 =	simm.s32 $_size_execute0_lowered;
	s3 =	sadd.s32 s3, s5;
	[dreg:$0x0] =	wrdreg $0x0  }
0xa8: {  	s5 =	sshll.u32 s28, $0x1;
	[dreg:$0x2] =	wrdreg s3  }
0xa9: {  	[dreg:$0x3] =	wrdreg s5  }
0xaa: {  	[dreg:$0x4] =	wrdreg $0xC0  }
0xab: {  	_ =	task [dreg:s7], $0x5FFFF  }
0xac: {  	[dreg:$0x1] =	wrdreg $0xFFFFFFFF  }
0xad: {  	[dreg:$0x0] =	wrdreg $0x60  }
0xae: {  	[dreg:$0x2] =	wrdreg s24  }
0xaf: {  	[dreg:$0x3] =	wrdreg s2  }
0xb0: {  	[dreg:$0x4] =	wrdreg $0xA8000  }
0xb1: {  	[dreg:$0x5] =	wrdreg $0x9  }
0xb2: {  	_ =	task.clear_ibuf [dreg:s7], $0x6FFFF;
	_ =	strace $0x90000049  }
0xb3: {  	s29 =	simm.s32 $0x9;
	_ =	strace $0x8000004B  }
0xb4: {  	_ =	swait.ge [sflag:s29], $0x1  }
0xb5: {  	[sflag:s29] =	ssyncadd.s32 $0xFFFFFFFF  }
0xb6: {  	_ =	strace $0x9000004B  }
0xb7: {  	_ =	sfence  }
0xb8: {  	s30 =	sld [smem:$0x0];
	_ =	sdelay $0x2  }
0xb9: {  	s31 =	sshll.u32 s1, $0xD;
	s1 =	sshrl.u32 s1, $0x2  }
0xba: {  	s3 =	sand.u32 $0x4000, s31;
	s1 =	sadd.s32 s1, s30  }
0xbb: {  	s0 =	sor.u32 s3, s0;
	s1 =	sshll.u32 s1, $0x11  }
0xbc: {  	s0 =	sor.u32 s1, s0  }
0xbd: {  	s0 =	sadd.s32 $0x8F2B, s0  }
0xbe: {  	[sflag:s0] =	ssyncadd.remote.s32 $0x1  }
0xbf: {  	_ =	sfence.sel $0xFFFF  }
0xc0: {  	[dreg:$0x0] =	wrdreg $0xFFFFFFFF;
	(pc) =	sbr.abs _section_cstart, $3  }
0xc1: {  	[dreg:$0x1] =	wrdreg $0xFFFFFFFF  }
0xc2: {  	_ =	task.clear_ibuf [dreg:s7], $0x2FFFF;
	_ =	strace $0x9FFFFFFF  }
0xc3: {  	(tm) =	ssettm $0x7FFFFFFF  }
tec
execute0_lowered:
.L_overlay_start_1:
0x0: {  	(tag) =	ssettag $0x1  }
0x1: {  	s6 =	rddreg [dreg:$0x0]  }
0x2: {  	s0 =	srdreg.scid;
	s2 =	rddreg [dreg:$0x1]  }
0x3: {  	s3 =	rddreg [dreg:$0x2];
	s9 =	sand.u32 $0x1, s0  }
0x4: {  	s0 =	stileid.u32;
	s5 =	smul.u32 $0x34000, s9  }
0x5: {  	s1 =	rddreg [dreg:$0x3];
	s7 =	smul.u32 $0x3400, s0  }
0x6: {  	s4 =	simm.s32 $0x0;
	s16 =	simm.s32 $0x1;
	s8 =	smul.u32 $0x13C000, s9  }
0x7: {  	s17 =	simm.s32 $0x0;
	[smem:$0x7FF] =	sst s4;
	s10 =	smul.u32 $0x13C00, s0  }
0x8: {  	_ =	strace $0x8000004A;
	s28 =	ssub.s32 $0x2, s9;
	s11 =	smul.u32 $0x4F000, s0  }
0x9: {  	s31 =	sshll.u32 s0, $0x6;
	p0 =	seq.s32 s9, $0x0;
	s9 =	simm.s32 $0x3C  }
0xa: {  	s29 =	sshrl.u32 s28, $0x1;
	s9 =	simm.s32 @!p0 $0x61;
	s7 =	sadd.s32 s7, s5  }
0xb: {  	s5 =	sadd.s32 $0x1C600, s6;
	s8 =	sadd.s32 s10, s8;
	s14 =	ssub.s32 s28, s29  }
0xc: {  	s30 =	sshrl.u32 s11, $0x2;
	s7 =	sshrl.u32 s7, $0x3;
	s8 =	sshrl.u32 s8, $0x3  }
0xd: {  	s15 =	sadd.s32 s30, s3;
	s11 =	smax.u32 s14, $0x1;
	s14 =	simm.s32 $0x80  }
0xe: {  	s12 =	sadd.s32 s7, s6;
	s13 =	sadd.s32 s8, s6;
	s6 =	sor.u32 $0x1C02, s31  }
0xf: {  	s7 =	sadd.s32 $0x2600, s12;
	s8 =	sadd.s32 $0xF600, s12;
	s10 =	sadd.s32 $0x43800, s13  }
0x10: {  	s12 =	sshrl.u32 s15, $0x3;
	s13 =	simm.s32 $0x2;
	s15 =	simm.s32 $0x6800  }
.LBB2_1:
0x11: {  	[spmem:s12], [sflag:s6] =	dma.local [hbm:s2], $0x2780  }
0x12: {  	_ =	swait.ge [sflag:s13], $0x2780  }
0x13: {  	[sflag:s13] =	ssyncset.done $0x0  }
0x14: {  	[sflag:s13] =	ssyncadd.s32 $0xFFFFD880  }
0x15: {  	[tilespmem:s4], [sflag:$0x2] =	stream.linear.gather [hbm4b:s7+s4], $0x3080, $0x38;
	[tilespmem:$0x1E400] =	vst v63  }
0x16: {  	_ =	swait.ge [sflag:s13], $0x3080  }
0x17: {  	[sflag:s13] =	ssyncset.done $0x0  }
0x18: {  	s18 =	simm.s32 $0x3400;
	[sflag:s13] =	ssyncadd.s32 $0xFFFFCF80  }
0x19: {  	[tilespmem:s18], [sflag:$0x2] =	stream.linear.gather [hbm4b:s8+s4], $0x3080, $0x38;
	[tilespmem:$0x1E400] =	vst v63  }
0x1a: {  	_ =	swait.ge [sflag:s13], $0x3080  }
0x1b: {  	[sflag:s13] =	ssyncset.done $0x0  }
0x1c: {  	[sflag:s13] =	ssyncadd.s32 $0xFFFFCF80  }
0x1d: {  	[bflag:$0x0] =	sbarrier.arrive $0xFFFF  }
0x1e: {  	[tilespmem:s15], [sflag:$0x1] =	stream.indirect.gather [hbm4b:s5+s14], $0x80, s4, s14, $0xb8;
	[tilespmem:$0x1E400] =	vst v63  }
0x1f: {  	p0 =	sne.s32 s9, $0x1;
	_ =	swait.ge [sflag:s16], $0x4000  }
.Ltmp0:
0x20: {  	[sflag:s16] =	ssyncset.done $0x0;
	(pc) =	sbr.rel @!p0 .LBB2_3-.Ltmp0, $4  }
0x21: {  	[sflag:s16] =	ssyncadd.s32 $0xFFFFC000  }
0x22: {  	[spmem:s3] =	stream.indirect.scatter.add.f32 [tilespmem:s15], [sflag:$0x2], $0x80, s18, s14, $0xb8;
	[tilespmem:$0x1E400] =	vst v63  }
0x23: {  	_ =	swait.ge [sflag:s13], $0x4000  }
0x24: {  	s19 =	sadd.s32 $0xFFFFFFFF, s9;
	s20 =	simm.s32 $0x0;
	[sflag:s13] =	ssyncset.done $0x0  }
.LBB2_2:
0x25: {  	[sflag:s13] =	ssyncadd.s32 $0xFFFFC000;
	s20 =	sadd.s32 $0x80, s20;
	s18 =	sadd.s32 $0x80, s18  }
0x26: {  	[tilespmem:s15], [sflag:$0x1] =	stream.indirect.gather [hbm4b:s5+s14], $0x80, s20, s14, $0xb8;
	[tilespmem:$0x1E400] =	vst v63  }
0x27: {  	p0 =	sne.s32 s19, $0x1;
	s19 =	sadd.s32 $0xFFFFFFFF, s19;
	_ =	swait.ge [sflag:s16], $0x4000  }
.Ltmp1:
0x28: {  	[sflag:s16] =	ssyncset.done $0x0;
	(pc) =	sbr.rel @p0 .LBB2_2-.Ltmp1, $4  }
0x29: {  	[sflag:s16] =	ssyncadd.s32 $0xFFFFC000  }
0x2a: {  	[spmem:s3] =	stream.indirect.scatter.add.f32 [tilespmem:s15], [sflag:$0x2], $0x80, s18, s14, $0xb8;
	[tilespmem:$0x1E400] =	vst v63  }
0x2b: {  	_ =	swait.ge [sflag:s13], $0x4000  }
0x2c: {  	[sflag:s13] =	ssyncset.done $0x0  }
.LBB2_3:
0x2d: {  	s17 =	sadd.s32 $0x1, s17  }
0x2e: {  	[sflag:s13] =	ssyncadd.s32 $0xFFFFC000;
	p0 =	sne.s32 s17, s11  }
.Ltmp2:
0x2f: {  	[bflag:$0x0] =	sbarrier.arrive $0xFFFF;
	(pc) =	sbr.rel @p0 .LBB2_1-.Ltmp2, $4  }
0x30: {  	[hbm:s10], [sflag:s6] =	dma.local [spmem:s12], $0x2780  }
0x31: {  	_ =	swait.ge [sflag:s13], $0x2780  }
0x32: {  	[sflag:s13] =	ssyncset.done $0x0  }
0x33: {  	[sflag:s13] =	ssyncadd.s32 $0xFFFFD880  }
0x34: {  	_ =	sfence.sel $0x180000  }
0x35: {  	[bflag:$0x0] =	sbarrier.arrive $0xFFFF  }
0x36: {  	p0 =	sne.s32 s0, $0x0;
	_ =	strace $0x9000004A  }
0x37: {  	s0 =	sadd.s32 @!p0 $0x100000, s1;
	[bflag:$0x2] =	sbarrier.arrive $0xFFFF  }
0x38: {  	[sflag:s0] =	ssyncadd.tile.s32 @!p0 $0x1;
	_ =	shalt  }
.Lfunc_end2:
_tile_overlayer_lowered:
.L_overlay_start_2:
0x39: {  	(tag) =	ssettag $0x2  }
0x3a: {  	s0 =	rddreg [dreg:$0x0];
	s2 =	stileid.u32  }
0x3b: {  	s1 =	rddreg [dreg:$0x1];
	p0 =	sne.s32 s2, $0x0  }
0x3c: {  	s3 =	rddreg [dreg:$0x2];
	[bflag:$0x3] =	sbarrier.arrive $0xFFFF;
	s2 =	simm.s32 @!p0 $0x1C02  }
0x3d: {  	[timem:s3], [sflag:s2] =	dma.local @!p0 [hbm:s0], s1  }
0x3e: {  	s0 =	simm.s32 @!p0 $0x2  }
0x3f: {  	_ =	swait.ge @!p0 [sflag:s0], s1  }
0x40: {  	s1 =	ssub.s32 @!p0 $0x0, s1;
	[sflag:s0] =	ssyncset.done @!p0 $0x0  }
0x41: {  	[sflag:s0] =	ssyncadd.s32 @!p0 s1  }
0x42: {  	[bflag:$0x3] =	sbarrier.arrive $0xFFFF  }
0x43: {  	_ =	shalt  }

// kernel: kernel.7.cloned.1.call-start
scs
__scs_entry_jumppad:
0x0: {  	(pc) =	sbr.rel $0x88, $3  }
0x1: {  	(tag) =	ssettag $0x0;
	lr =	simm.s32 $0x1  }
0x2: {  	[smem:$0x3F96] =	sst lr;
	_ =	strace $0xD0000000  }
0x3: {  	_ = 	snop  }
0x4: {  	_ = 	snop  }
0x5: {  	_ = 	snop  }
0x6: {  	_ = 	snop  }
0x7: {  	_ = 	snop  }
__scs_overlays_trampoline_lowered:
0x8: {  	[smem:$0x3FA5] =	sst s0  }
0x9: {  	[smem:$0x3FA6] =	sst s1  }
0xa: {  	[smem:$0x3FA7] =	sst s2  }
0xb: {  	[smem:$0x3FA8] =	sst s3  }
0xc: {  	[smem:$0x3FA9] =	sst s4  }
0xd: {  	[smem:$0x3FAA] =	sst s5  }
0xe: {  	[smem:$0x3FAB] =	sst s6  }
0xf: {  	[smem:$0x3FAC] =	sst s7  }
0x10: {  	[smem:$0x3FAD] =	sst s8  }
0x11: {  	[smem:$0x3FAE] =	sst s9;
	s0 =	simm.s32 @!p0 $0x0  }
0x12: {  	s1 =	sld [smem:$0x3F94];
	s0 =	simm.s32 @p0 $0x1  }
0x13: {  	[smem:$0x3FAF] =	sst s0;
	s0 =	simm.s32 @!p1 $0x0  }
0x14: {  	s2 =	sld [smem:$0x3F93];
	s0 =	simm.s32 @p1 $0x1  }
0x15: {  	[smem:$0x3FB0] =	sst s0;
	s0 =	simm.s32 @!p2 $0x0  }
0x16: {  	s3 =	sld [smem:$0x3FDB];
	s0 =	simm.s32 @p2 $0x1  }
0x17: {  	s4 =	simm.s32 $0x1BF5;
	[smem:$0x3FB2] =	sst s0  }
0x18: {  	s0 =	sld [smem:$0x3F95];
	_ =	swait.ge [sflag:s4], $0x0  }
0x19: {  	s7 =	sld [smem:$0x3F96]  }
0x1a: {  	s8 =	sadd.s32 $0xFFFFE003, lr  }
0x1b: {  	s9 =	sadd.s32 $0xFFFFFEF7, lr;
	s5 =	simm.s32 $0xFFFFFFFF;
	p2 =	slt.u32 s8, $0xFFFFF086  }
0x1c: {  	p1 =	slt.u32 s9, $0xF7A;
	s5 =	simm.s32 @!p2 $0x0  }
0x1d: {  	s5 =	simm.s32 @p1 $0x1;
	p0 =	seq.s32 s7, s2  }
0x1e: {  	s7 =	smul.u32 @!p0 $0xF7A, s2;
	p2 =	seq.s32 @!p0 s5, $0x0  }
0x1f: {  	s9 =	smul.u32 $0xF7A, s1;
	s8 =	simm.s32 @!p0 $0x1BF5;
	p2 =	por !p2, p0  }
0x20: {  	[sflag:s8] =	ssyncset.s32 @!p0 $0xFFFFF086;
	s6 =	sadd.s32 @!p0 s3, s7;
	s7 =	simm.s32 @!p0 $0x108  }
0x21: {  	s3 =	sadd.s32 s3, s9;
	s6 =	sadd.s32 @!p0 $0x88, s6;
	s7 =	simm.s32 @p2 $0x1082  }
0x22: {  	[simem:s7], [sflag:s8] =	dma.local @!p0 [hbm:s6], $0xF7A  }
0x23: {  	s9 =	sor.u32 $0xD0000000, s2;
	s6 =	simm.s32 $0x108;
	_ =	swait.ge @!p0 [sflag:s8], $0x0  }
0x24: {  	s3 =	sadd.s32 $0x88, s3;
	s6 =	simm.s32 @!p1 $0x1082;
	[sflag:s4] =	ssyncset.s32 $0xFFFFF086  }
0x25: {  	[simem:s6], [sflag:s4] =	dma.local [hbm:s3], $0xF7A  }
0x26: {  	[smem:$0x3F96] =	sst s1;
	(tag) =	ssettag s2;
	_ =	strace s9  }
0x27: {  	s1 =	sld [smem:$0x3FA6]  }
0x28: {  	s2 =	sld [smem:$0x3FA7]  }
0x29: {  	s4 =	sld [smem:$0x3FA9]  }
0x2a: {  	p0 =	seq.s32 s5, $0x0;
	s5 =	sld [smem:$0x3FAA]  }
0x2b: {  	s6 =	sld [smem:$0x3FAB]  }
0x2c: {  	s7 =	sld [smem:$0x3FAC]  }
0x2d: {  	s3 =	simm.s32 $0x108;
	s8 =	sld [smem:$0x3FAD]  }
0x2e: {  	s3 =	simm.s32 @!p0 $0x1082;
	s9 =	sld [smem:$0x3FAE]  }
0x2f: {  	lr =	sadd.s32 s0, s3;
	s0 =	sld [smem:$0x3FA5]  }
0x30: {  	s3 =	sld [smem:$0x3FA8]  }
0x31: {  	[smem:$0x3FB1] =	sst s10  }
0x32: {  	s10 =	sld [smem:$0x3FAF];
	_ =	sdelay $0x3  }
0x33: {  	p0 =	seq.s32 s10, $0x1;
	s10 =	sld [smem:$0x3FB1];
	_ =	sdelay $0x3  }
0x34: {  	[smem:$0x3FB1] =	sst s10  }
0x35: {  	s10 =	sld [smem:$0x3FB0];
	_ =	sdelay $0x3  }
0x36: {  	p1 =	seq.s32 s10, $0x1;
	s10 =	sld [smem:$0x3FB1];
	_ =	sdelay $0x3  }
0x37: {  	[smem:$0x3FB1] =	sst s10  }
0x38: {  	s10 =	sld [smem:$0x3FB2]  }
0x39: {  	_ = 	snop;
	(pc) =	sbr.ind lr, $3  }
0x3a: {  	_ = 	snop  }
0x3b: {  	_ = 	snop  }
0x3c: {  	p2 =	seq.s32 s10, $0x1;
	s10 =	sld [smem:$0x3FB1]  }
0x3d: {  	_ =	shalt  }
0x3e: {  	_ =	shalt  }
0x3f: {  	_ =	shalt  }
0x40: {  	_ =	shalt  }
0x41: {  	_ =	shalt  }
0x42: {  	_ =	shalt  }
0x43: {  	_ =	shalt  }
0x44: {  	_ =	shalt  }
0x45: {  	_ =	shalt  }
0x46: {  	_ =	shalt  }
0x47: {  	_ =	shalt  }
0x48: {  	_ =	shalt  }
0x49: {  	_ =	shalt  }
0x4a: {  	_ =	shalt  }
0x4b: {  	_ =	shalt  }
0x4c: {  	_ =	shalt  }
0x4d: {  	_ =	shalt  }
0x4e: {  	_ =	shalt  }
0x4f: {  	_ =	shalt  }
0x50: {  	_ =	shalt  }
0x51: {  	_ =	shalt  }
0x52: {  	_ =	shalt  }
0x53: {  	_ =	shalt  }
0x54: {  	_ =	shalt  }
0x55: {  	_ =	shalt  }
0x56: {  	_ =	shalt  }
0x57: {  	_ =	shalt  }
0x58: {  	_ =	shalt  }
0x59: {  	_ =	shalt  }
0x5a: {  	_ =	shalt  }
0x5b: {  	_ =	shalt  }
0x5c: {  	_ =	shalt  }
0x5d: {  	_ =	shalt  }
0x5e: {  	_ =	shalt  }
0x5f: {  	_ =	shalt  }
0x60: {  	_ =	shalt  }
0x61: {  	_ =	shalt  }
0x62: {  	_ =	shalt  }
0x63: {  	_ =	shalt  }
0x64: {  	_ =	shalt  }
0x65: {  	_ =	shalt  }
0x66: {  	_ =	shalt  }
0x67: {  	_ =	shalt  }
0x68: {  	_ =	shalt  }
0x69: {  	_ =	shalt  }
0x6a: {  	_ =	shalt  }
0x6b: {  	_ =	shalt  }
0x6c: {  	_ =	shalt  }
0x6d: {  	_ =	shalt  }
0x6e: {  	_ =	shalt  }
0x6f: {  	_ =	shalt  }
0x70: {  	_ =	shalt  }
0x71: {  	_ =	shalt  }
0x72: {  	_ =	shalt  }
0x73: {  	_ =	shalt  }
0x74: {  	_ =	shalt  }
0x75: {  	_ =	shalt  }
0x76: {  	_ =	shalt  }
0x77: {  	_ =	shalt  }
0x78: {  	_ =	shalt  }
0x79: {  	_ =	shalt  }
0x7a: {  	_ =	shalt  }
0x7b: {  	_ =	shalt  }
0x7c: {  	_ =	shalt  }
0x7d: {  	_ =	shalt  }
0x7e: {  	_ =	shalt  }
0x7f: {  	_ =	shalt  }
0x80: {  	_ =	shalt  }
0x81: {  	_ =	shalt  }
0x82: {  	_ =	shalt  }
0x83: {  	_ =	shalt  }
0x84: {  	_ =	shalt  }
0x85: {  	_ =	shalt  }
0x86: {  	_ =	shalt  }
0x87: {  	_ =	shalt  }
.Lfunc_end0:
.L_simem_size_0:
called_computation_lowered:
.L_overlay_start_0:
0x88: {  	s2 =	sld [smem:$0x3FD9]  }
0x89: {  	s3 =	sld [smem:$0x3FFE];
	_ =	sdelay $0x1  }
0x8a: {  	s1 =	srdreg.scid  }
0x8b: {  	s0 =	sand.u32 $0x1, s1  }
0x8c: {  	s17 =	sshll.u32 s0, $0xA;
	s2 =	sadd.s32 s3, s2  }
0x8d: {  	s2 =	sadd.s32 s2, s17  }
0x8e: {  	[smem:$0x3FBD] =	sst s2  }
0x8f: {  	_ = 	snop  }
0x90: {  	s2 =	sld [smem:$0x3FD0];
	(tm) =	ssettm $0x1  }
0x91: {  	s18 =	sld [smem:$0x3FFB];
	_ =	sdelay $0x3  }
0x92: {  	_ =	strace s18  }
0x93: {  	s3 =	sld [smem:$0x3FFC];
	_ =	sdelay $0x3  }
0x94: {  	_ =	strace s3  }
0x95: {  	s3 =	sld [smem:$0x3FFD];
	_ =	sdelay $0x3  }
0x96: {  	_ =	strace s3  }
0x97: {  	_ =	strace $0x8FFFFFFF  }
0x98: {  	s19 =	sld [smem:$0x3FDB];
	_ =	sdelay $0x1  }
0x99: {  	s4 =	simm.s32 $_scs_section_size  }
0x9a: {  	s5 =	simm.s32 $_size__tile_overlayer_lowered;
	s6 =	simm.s32 $_tile_overlayer_lowered  }
0x9b: {  	s22 =	simm.s32 $0x1BFF;
	s21 =	sshll.u32 s6, $0x1;
	s3 =	sadd.s32 s4, s19  }
0x9c: {  	s7 =	simm.s32 $0x0;
	s20 =	sshll.u32 s5, $0x1;
	s5 =	sadd.s32 s21, s3  }
0x9d: {  	[timem:s7], [sflag:s22] =	dma.local [hbm:s5], s20  }
0x9e: {  	_ =	swait.ge [sflag:s22], s20  }
0x9f: {  	s4 =	ssub.s32 $0x0, s20;
	[sflag:s22] =	ssyncset.done $0x0  }
0xa0: {  	[sflag:s22] =	ssyncadd.s32 s4;
	_ =	sdelay $0x1  }
0xa1: {  	s23 =	simm.s32 $0x1B8B  }
0xa2: {  	_ =	swait.ge [sflag:s23], $0x1  }
0xa3: {  	[sflag:s23] =	ssyncset.done $0x0  }
0xa4: {  	s25 =	simm.s32 $0x1B8E;
	s24 =	sld [smem:$0x3FFE];
	[sflag:s23] =	ssyncadd.s32 $0xFFFFFFFF  }
0xa5: {  	s26 =	simm.s32 $execute0_lowered;
	[smem:$0x3FD2] =	sst s25  }
0xa6: {  	s5 =	sshll.u32 s26, $0x1;
	_ =	strace $0x80000046;
	[dreg:$0x1] =	wrdreg $0xFFFFFFFF  }
0xa7: {  	s28 =	simm.s32 $_size_execute0_lowered;
	s3 =	sadd.s32 s3, s5;
	[dreg:$0x0] =	wrdreg $0x0  }
0xa8: {  	s5 =	sshll.u32 s28, $0x1;
	[dreg:$0x2] =	wrdreg s3  }
0xa9: {  	[dreg:$0x3] =	wrdreg s5  }
0xaa: {  	[dreg:$0x4] =	wrdreg $0xC0  }
0xab: {  	_ =	task [dreg:s7], $0x5FFFF  }
0xac: {  	[dreg:$0x1] =	wrdreg $0xFFFFFFFF  }
0xad: {  	[dreg:$0x0] =	wrdreg $0x60  }
0xae: {  	[dreg:$0x2] =	wrdreg s24  }
0xaf: {  	[dreg:$0x3] =	wrdreg s2  }
0xb0: {  	[dreg:$0x4] =	wrdreg $0xA8000  }
0xb1: {  	[dreg:$0x5] =	wrdreg $0x9  }
0xb2: {  	_ =	task.clear_ibuf [dreg:s7], $0x6FFFF;
	_ =	strace $0x90000046  }
0xb3: {  	s29 =	simm.s32 $0x9;
	_ =	strace $0x80000048  }
0xb4: {  	_ =	swait.ge [sflag:s29], $0x1  }
0xb5: {  	[sflag:s29] =	ssyncadd.s32 $0xFFFFFFFF  }
0xb6: {  	_ =	strace $0x90000048  }
0xb7: {  	_ =	sfence  }
0xb8: {  	s30 =	sld [smem:$0x0];
	_ =	sdelay $0x2  }
0xb9: {  	s31 =	sshll.u32 s1, $0xD;
	s1 =	sshrl.u32 s1, $0x2  }
0xba: {  	s3 =	sand.u32 $0x4000, s31;
	s1 =	sadd.s32 s1, s30  }
0xbb: {  	s0 =	sor.u32 s3, s0;
	s1 =	sshll.u32 s1, $0x11  }
0xbc: {  	s0 =	sor.u32 s1, s0  }
0xbd: {  	s0 =	sadd.s32 $0x8F2B, s0  }
0xbe: {  	[sflag:s0] =	ssyncadd.remote.s32 $0x1  }
0xbf: {  	_ =	sfence.sel $0xFFFF  }
0xc0: {  	[dreg:$0x0] =	wrdreg $0xFFFFFFFF;
	(pc) =	sbr.abs _section_cstart, $3  }
0xc1: {  	[dreg:$0x1] =	wrdreg $0xFFFFFFFF  }
0xc2: {  	_ =	task.clear_ibuf [dreg:s7], $0x2FFFF;
	_ =	strace $0x9FFFFFFF  }
0xc3: {  	(tm) =	ssettm $0x7FFFFFFF  }
tec
execute0_lowered:
.L_overlay_start_1:
0x0: {  	(tag) =	ssettag $0x1  }
0x1: {  	s6 =	rddreg [dreg:$0x0]  }
0x2: {  	s0 =	srdreg.scid;
	s2 =	rddreg [dreg:$0x1]  }
0x3: {  	s3 =	rddreg [dreg:$0x2];
	s9 =	sand.u32 $0x1, s0  }
0x4: {  	s0 =	stileid.u32;
	s5 =	smul.u32 $0x34000, s9  }
0x5: {  	s1 =	rddreg [dreg:$0x3];
	s7 =	smul.u32 $0x3400, s0  }
0x6: {  	s4 =	simm.s32 $0x0;
	s16 =	simm.s32 $0x1;
	s8 =	smul.u32 $0x13C000, s9  }
0x7: {  	s17 =	simm.s32 $0x0;
	[smem:$0x7FF] =	sst s4;
	s10 =	smul.u32 $0x13C00, s0  }
0x8: {  	_ =	strace $0x80000047;
	s28 =	ssub.s32 $0x2, s9;
	s11 =	smul.u32 $0x4F000, s0  }
0x9: {  	s31 =	sshll.u32 s0, $0x6;
	p0 =	seq.s32 s9, $0x0;
	s9 =	simm.s32 $0x3C  }
0xa: {  	s29 =	sshrl.u32 s28, $0x1;
	s9 =	simm.s32 @!p0 $0x61;
	s7 =	sadd.s32 s7, s5  }
0xb: {  	s5 =	sadd.s32 $0x1C600, s6;
	s8 =	sadd.s32 s10, s8;
	s14 =	ssub.s32 s28, s29  }
0xc: {  	s30 =	sshrl.u32 s11, $0x2;
	s7 =	sshrl.u32 s7, $0x3;
	s8 =	sshrl.u32 s8, $0x3  }
0xd: {  	s15 =	sadd.s32 s30, s3;
	s11 =	smax.u32 s14, $0x1;
	s14 =	simm.s32 $0x80  }
0xe: {  	s12 =	sadd.s32 s7, s6;
	s13 =	sadd.s32 s8, s6;
	s6 =	sor.u32 $0x1C02, s31  }
0xf: {  	s7 =	sadd.s32 $0x2600, s12;
	s8 =	sadd.s32 $0xF600, s12;
	s10 =	sadd.s32 $0x43800, s13  }
0x10: {  	s12 =	sshrl.u32 s15, $0x3;
	s13 =	simm.s32 $0x2;
	s15 =	simm.s32 $0x6800  }
.LBB2_1:
0x11: {  	[spmem:s12], [sflag:s6] =	dma.local [hbm:s2], $0x2780  }
0x12: {  	_ =	swait.ge [sflag:s13], $0x2780  }
0x13: {  	[sflag:s13] =	ssyncset.done $0x0  }
0x14: {  	[sflag:s13] =	ssyncadd.s32 $0xFFFFD880  }
0x15: {  	[tilespmem:s4], [sflag:$0x2] =	stream.linear.gather [hbm4b:s7+s4], $0x3080, $0x38;
	[tilespmem:$0x1E400] =	vst v63  }
0x16: {  	_ =	swait.ge [sflag:s13], $0x3080  }
0x17: {  	[sflag:s13] =	ssyncset.done $0x0  }
0x18: {  	s18 =	simm.s32 $0x3400;
	[sflag:s13] =	ssyncadd.s32 $0xFFFFCF80  }
0x19: {  	[tilespmem:s18], [sflag:$0x2] =	stream.linear.gather [hbm4b:s8+s4], $0x3080, $0x38;
	[tilespmem:$0x1E400] =	vst v63  }
0x1a: {  	_ =	swait.ge [sflag:s13], $0x3080  }
0x1b: {  	[sflag:s13] =	ssyncset.done $0x0  }
0x1c: {  	[sflag:s13] =	ssyncadd.s32 $0xFFFFCF80  }
0x1d: {  	[bflag:$0x0] =	sbarrier.arrive $0xFFFF  }
0x1e: {  	[tilespmem:s15], [sflag:$0x1] =	stream.indirect.gather [hbm4b:s5+s14], $0x80, s4, s14, $0xb8;
	[tilespmem:$0x1E400] =	vst v63  }
0x1f: {  	p0 =	sne.s32 s9, $0x1;
	_ =	swait.ge [sflag:s16], $0x4000  }
.Ltmp0:
0x20: {  	[sflag:s16] =	ssyncset.done $0x0;
	(pc) =	sbr.rel @!p0 .LBB2_3-.Ltmp0, $4  }
0x21: {  	[sflag:s16] =	ssyncadd.s32 $0xFFFFC000  }
0x22: {  	[spmem:s3] =	stream.indirect.scatter.add.f32 [tilespmem:s15], [sflag:$0x2], $0x80, s18, s14, $0xb8;
	[tilespmem:$0x1E400] =	vst v63  }
0x23: {  	_ =	swait.ge [sflag:s13], $0x4000  }
0x24: {  	s19 =	sadd.s32 $0xFFFFFFFF, s9;
	s20 =	simm.s32 $0x0;
	[sflag:s13] =	ssyncset.done $0x0  }
.LBB2_2:
0x25: {  	[sflag:s13] =	ssyncadd.s32 $0xFFFFC000;
	s20 =	sadd.s32 $0x80, s20;
	s18 =	sadd.s32 $0x80, s18  }
0x26: {  	[tilespmem:s15], [sflag:$0x1] =	stream.indirect.gather [hbm4b:s5+s14], $0x80, s20, s14, $0xb8;
	[tilespmem:$0x1E400] =	vst v63  }
0x27: {  	p0 =	sne.s32 s19, $0x1;
	s19 =	sadd.s32 $0xFFFFFFFF, s19;
	_ =	swait.ge [sflag:s16], $0x4000  }
.Ltmp1:
0x28: {  	[sflag:s16] =	ssyncset.done $0x0;
	(pc) =	sbr.rel @p0 .LBB2_2-.Ltmp1, $4  }
0x29: {  	[sflag:s16] =	ssyncadd.s32 $0xFFFFC000  }
0x2a: {  	[spmem:s3] =	stream.indirect.scatter.add.f32 [tilespmem:s15], [sflag:$0x2], $0x80, s18, s14, $0xb8;
	[tilespmem:$0x1E400] =	vst v63  }
0x2b: {  	_ =	swait.ge [sflag:s13], $0x4000  }
0x2c: {  	[sflag:s13] =	ssyncset.done $0x0  }
.LBB2_3:
0x2d: {  	s17 =	sadd.s32 $0x1, s17  }
0x2e: {  	[sflag:s13] =	ssyncadd.s32 $0xFFFFC000;
	p0 =	sne.s32 s17, s11  }
.Ltmp2:
0x2f: {  	[bflag:$0x0] =	sbarrier.arrive $0xFFFF;
	(pc) =	sbr.rel @p0 .LBB2_1-.Ltmp2, $4  }
0x30: {  	[hbm:s10], [sflag:s6] =	dma.local [spmem:s12], $0x2780  }
0x31: {  	_ =	swait.ge [sflag:s13], $0x2780  }
0x32: {  	[sflag:s13] =	ssyncset.done $0x0  }
0x33: {  	[sflag:s13] =	ssyncadd.s32 $0xFFFFD880  }
0x34: {  	_ =	sfence.sel $0x180000  }
0x35: {  	[bflag:$0x0] =	sbarrier.arrive $0xFFFF  }
0x36: {  	p0 =	sne.s32 s0, $0x0;
	_ =	strace $0x90000047  }
0x37: {  	s0 =	sadd.s32 @!p0 $0x100000, s1;
	[bflag:$0x2] =	sbarrier.arrive $0xFFFF  }
0x38: {  	[sflag:s0] =	ssyncadd.tile.s32 @!p0 $0x1;
	_ =	shalt  }
.Lfunc_end2:
_tile_overlayer_lowered:
.L_overlay_start_2:
0x39: {  	(tag) =	ssettag $0x2  }
0x3a: {  	s0 =	rddreg [dreg:$0x0];
	s2 =	stileid.u32  }
0x3b: {  	s1 =	rddreg [dreg:$0x1];
	p0 =	sne.s32 s2, $0x0  }
0x3c: {  	s3 =	rddreg [dreg:$0x2];
	[bflag:$0x3] =	sbarrier.arrive $0xFFFF;
	s2 =	simm.s32 @!p0 $0x1C02  }
0x3d: {  	[timem:s3], [sflag:s2] =	dma.local @!p0 [hbm:s0], s1  }
0x3e: {  	s0 =	simm.s32 @!p0 $0x2  }
0x3f: {  	_ =	swait.ge @!p0 [sflag:s0], s1  }
0x40: {  	s1 =	ssub.s32 @!p0 $0x0, s1;
	[sflag:s0] =	ssyncset.done @!p0 $0x0  }
0x41: {  	[sflag:s0] =	ssyncadd.s32 @!p0 s1  }
0x42: {  	[bflag:$0x3] =	sbarrier.arrive $0xFFFF  }
0x43: {  	_ =	shalt  }

</sc_bundles>
